<compile_context>
chip_gen: v7x
topology: tpu7x:2x2x1
jax: 0.10.2.dev20260603
libtpu: 0.0.44.dev20260713+nightly
codegen_flags: <defaults>
</compile_context>

<pallas_src>
import functools

import jax
import jax.numpy as jnp
from jax import lax
from jax.experimental import pallas as pl
from jax.experimental.pallas import tpu as pltpu
from jax.experimental.pallas import tpu_sc as plsc

N = 10000
E = 320000
D_IN = 128
D_H = 128
D_OUT = 64
DH2 = 64

NC = 2
NS = 16
B = 128
C1 = 158
C2 = 80
NBUF = 2
N_PAD = 10240
ROWS_PER_TILE = N_PAD // NS
BLK = 1000
GRID = N // BLK


def _make_segsum(D, C, with_deg):
  mesh = plsc.VectorSubcoreMesh(core_axis_name="c", subcore_axis_name="s")
  out_type = [jax.ShapeDtypeStruct((NC, N_PAD, D), jnp.float32)]
  if with_deg:
    out_type.append(jax.ShapeDtypeStruct((NS, N_PAD), jnp.float32))
  scratch = (
      [pltpu.VMEM((C, B), jnp.int32),
       pltpu.VMEM((C, B), jnp.int32)]
      + [pltpu.VMEM((B, D), jnp.float32)] * NBUF
      + [pltpu.VMEM_SHARED((N_PAD, D), jnp.float32)]
      + [pltpu.SemaphoreType.DMA] * (2 * NBUF)
  )
  if with_deg:
    scratch.append(pltpu.VMEM((N_PAD,), jnp.float32))

  @functools.partial(
      pl.kernel, mesh=mesh, out_type=out_type, scratch_types=scratch,
      compiler_params=pltpu.CompilerParams(needs_layout_passes=False,
                                           use_tc_tiling_on_sc=False))
  def seg(*refs):
    if with_deg:
      (table_h, srcb_h, dstb_h, zrows_h, zdeg_h, out_h, deg_h,
       src_v, dst_v, *rest) = refs
      deg_v = rest[-1]
      rest = rest[:-1]
    else:
      (table_h, srcb_h, dstb_h, zrows_h, out_h, src_v, dst_v, *rest) = refs
    rows = rest[:NBUF]
    acc_sh = rest[NBUF]
    semg = rest[NBUF + 1:2 * NBUF + 1]
    sems = rest[2 * NBUF + 1:3 * NBUF + 1]
    cid = lax.axis_index("c")
    sid = lax.axis_index("s")
    r0 = sid * ROWS_PER_TILE

    pltpu.sync_copy(zrows_h, acc_sh.at[pl.ds(r0, ROWS_PER_TILE)])
    pltpu.sync_copy(srcb_h.at[cid, sid], src_v)
    pltpu.sync_copy(dstb_h.at[sid], dst_v)
    if with_deg:
      pltpu.sync_copy(zdeg_h, deg_v)
    plsc.subcore_barrier()

    ones = jnp.ones((16,), jnp.float32)

    for b in range(NBUF):
      pltpu.async_copy(table_h.at[src_v.at[b]], rows[b], semg[b])

    def chunkn(jj, carry):
      base = jj * NBUF
      scat = []
      for b in range(NBUF):
        j = base + b
        pltpu.make_async_copy(table_h.at[src_v.at[j]], rows[b],
                              semg[b]).wait()
        scat.append(pltpu.async_copy(rows[b], acc_sh.at[dst_v.at[j]],
                                     sems[b], add=True))
      if with_deg:
        @pl.when(cid == 0)
        def _():
          for b in range(NBUF):
            for k in range(B // 16):
              idx16 = dst_v[base + b, k * 16:(k + 1) * 16]
              plsc.addupdate_scatter(deg_v, [idx16], ones)
      for b in range(NBUF):
        scat[b].wait()

        @pl.when(base + b + NBUF < C)
        def _(b=b):
          pltpu.async_copy(table_h.at[src_v.at[base + b + NBUF]], rows[b],
                           semg[b])

      return carry

    lax.fori_loop(0, C // NBUF, chunkn, 0)
    plsc.subcore_barrier()

    pltpu.sync_copy(acc_sh.at[pl.ds(r0, ROWS_PER_TILE)],
                    out_h.at[cid].at[pl.ds(r0, ROWS_PER_TILE)])
    if with_deg:
      @pl.when(cid == 0)
      def _():
        pltpu.sync_copy(deg_v, deg_h.at[sid])

  return seg


_segsum1 = _make_segsum(DH2, C1, with_deg=True)
_segsum2 = _make_segsum(D_OUT // 2, C1, with_deg=False)


def _dense1_body(x_ref, agg_ref, degp_ref, ws1_ref, wn1_ref, b1_ref,
                 ws2_ref, wn2_ref, b2_ref, t_ref, s_ref):
  deg = jnp.sum(degp_ref[...], axis=1)
  dinv = 1.0 / jnp.maximum(deg, 1.0)
  hn = jnp.concatenate([agg_ref[0], agg_ref[1]], axis=1) * dinv[:, None]
  h1 = (jnp.dot(x_ref[...], ws1_ref[...], preferred_element_type=jnp.float32)
        + jnp.dot(hn, wn1_ref[...], preferred_element_type=jnp.float32)
        + b1_ref[...])
  h1 = jnp.maximum(h1, 0.0)
  tt = jnp.dot(h1, wn2_ref[...], preferred_element_type=jnp.float32)
  t_ref[0] = tt[:, :D_OUT // 2]
  t_ref[1] = tt[:, D_OUT // 2:]
  s_ref[...] = (jnp.dot(h1, ws2_ref[...], preferred_element_type=jnp.float32)
                + b2_ref[...])


def _dense1(x, agg1, degp, ws1, wn1, b1, ws2, wn2, b2):
  return pl.pallas_call(
      _dense1_body,
      grid=(GRID,),
      in_specs=[
          pl.BlockSpec((BLK, D_IN), lambda i: (i, 0)),
          pl.BlockSpec((NC, BLK, DH2), lambda i: (0, i, 0)),
          pl.BlockSpec((BLK, NS), lambda i: (i, 0)),
          pl.BlockSpec((D_IN, D_H), lambda i: (0, 0)),
          pl.BlockSpec((D_IN, D_H), lambda i: (0, 0)),
          pl.BlockSpec((1, D_H), lambda i: (0, 0)),
          pl.BlockSpec((D_H, D_OUT), lambda i: (0, 0)),
          pl.BlockSpec((D_H, D_OUT), lambda i: (0, 0)),
          pl.BlockSpec((1, D_OUT), lambda i: (0, 0)),
      ],
      out_specs=[
          pl.BlockSpec((NC, BLK, D_OUT // 2), lambda i: (0, i, 0)),
          pl.BlockSpec((BLK, D_OUT), lambda i: (i, 0)),
      ],
      out_shape=[
          jax.ShapeDtypeStruct((NC, N, D_OUT // 2), jnp.float32),
          jax.ShapeDtypeStruct((N, D_OUT), jnp.float32),
      ],
  )(x, agg1, degp, ws1, wn1, b1, ws2, wn2, b2)


def _dense2_body(s_ref, agg_ref, degp_ref, o_ref):
  deg = jnp.sum(degp_ref[...], axis=1)
  dinv = 1.0 / jnp.maximum(deg, 1.0)
  agg = jnp.concatenate([agg_ref[0], agg_ref[1]], axis=1)
  o_ref[...] = s_ref[...] + agg * dinv[:, None]


def _dense2(souts, agg2, degp):
  return pl.pallas_call(
      _dense2_body,
      grid=(GRID,),
      in_specs=[
          pl.BlockSpec((BLK, D_OUT), lambda i: (i, 0)),
          pl.BlockSpec((NC, BLK, D_OUT // 2), lambda i: (0, i, 0)),
          pl.BlockSpec((BLK, NS), lambda i: (i, 0)),
      ],
      out_specs=pl.BlockSpec((BLK, D_OUT), lambda i: (i, 0)),
      out_shape=jax.ShapeDtypeStruct((N, D_OUT), jnp.float32),
  )(souts, agg2, degp)


def kernel(x, edge_index, W_self1, W_neigh1, b1, W_self2, W_neigh2, b2):
  src = edge_index[0].astype(jnp.int32)
  dst = edge_index[1].astype(jnp.int32)

  pad1 = NS * C1 * B - E
  trash1 = N + (jnp.arange(pad1, dtype=jnp.int32) % (N_PAD - N))

  src1 = jnp.concatenate([src, jnp.zeros((pad1,), jnp.int32)]).reshape(
      NS, C1, B)
  dst1 = jnp.concatenate([dst, trash1]).reshape(NS, C1, B)
  src1 = jnp.stack([src1, src1 + N])
  x2 = jnp.concatenate([x[:, :DH2], x[:, DH2:]], axis=0)

  zrows1 = jnp.zeros((ROWS_PER_TILE, DH2), jnp.float32)
  zrows2 = jnp.zeros((ROWS_PER_TILE, D_OUT // 2), jnp.float32)
  zdeg = jnp.zeros((N_PAD,), jnp.float32)

  agg1, degp = _segsum1(x2, src1, dst1, zrows1, zdeg)
  degp = jnp.transpose(degp)
  t, souts = _dense1(x, agg1, degp, W_self1, W_neigh1,
                     b1.reshape(1, -1), W_self2, W_neigh2, b2.reshape(1, -1))
  (agg2,) = _segsum2(t.reshape(NC * N, D_OUT // 2), src1, dst1, zrows2)
  return _dense2(souts, agg2, degp)

# --- scband reference (transcript-rebuilt; emitter-appended) ---
"""Pipeline reference for scband-model-66219805769844 (READ-ONLY COPY).

The authoritative reference and input builder live on the scoring server;
editing this copy changes nothing except your own understanding.
"""

import jax, jax.numpy as jnp
import numpy as np

N_NODES = 10000
N_EDGES = 320000
IN_FEATS = 128
H_FEATS = 128
NUM_LABELS = 64

def setup_inputs(seed: int = 0) -> dict:
    key = jax.random.key(seed)
    k = jax.random.split(key, 9)
    x = jax.random.normal(k[0], (N_NODES, IN_FEATS), dtype=jnp.float32)
    edge_index = jax.random.randint(k[1], (2, N_EDGES), 0, N_NODES, dtype=jnp.int64)
    s1 = 1.0 / np.sqrt(IN_FEATS)
    s2 = 1.0 / np.sqrt(H_FEATS)
    W_self1 = jax.random.normal(k[2], (IN_FEATS, H_FEATS), dtype=jnp.float32) * s1
    W_neigh1 = jax.random.normal(k[3], (IN_FEATS, H_FEATS), dtype=jnp.float32) * s1
    b1 = jnp.zeros((H_FEATS,), dtype=jnp.float32)
    W_self2 = jax.random.normal(k[4], (H_FEATS, NUM_LABELS), dtype=jnp.float32) * s2
    W_neigh2 = jax.random.normal(k[5], (H_FEATS, NUM_LABELS), dtype=jnp.float32) * s2
    b2 = jnp.zeros((NUM_LABELS,), dtype=jnp.float32)
    return {"x": x, "edge_index": edge_index,
            "W_self1": W_self1, "W_neigh1": W_neigh1, "b1": b1,
            "W_self2": W_self2, "W_neigh2": W_neigh2, "b2": b2}

def _sage_conv(h, src, dst, n_nodes, W_self, W_neigh, b):
    # DGL SAGEConv with 'mean' aggregator:
    # h_neigh = mean_{j in N(i)} h_j ; out = h @ W_self + h_neigh @ W_neigh + b
    msg = jnp.take(h, src, axis=0)
    agg = jax.ops.segment_sum(msg, dst, num_segments=n_nodes)
    deg = jax.ops.segment_sum(jnp.ones((src.shape[0],), dtype=h.dtype), dst, num_segments=n_nodes)
    h_neigh = agg / jnp.maximum(deg, 1.0)[:, None]
    return h @ W_self + h_neigh @ W_neigh + b

def reference(x, edge_index, W_self1, W_neigh1, b1, W_self2, W_neigh2, b2):
    src = edge_index[0]
    dst = edge_index[1]
    n_nodes = x.shape[0]
    h = _sage_conv(x, src, dst, n_nodes, W_self1, W_neigh1, b1)
    h = jax.nn.relu(h)
    out = _sage_conv(h, src, dst, n_nodes, W_self2, W_neigh2, b2)
    return out

if __name__ == "__main__":
    import jax
    _d = setup_inputs()
    print(jax.jit(kernel)(*tuple(_d.values())))

</pallas_src>

<mosaic_0001>
#map = affine_map<(d0, d1) -> (0, 0)>
#map1 = affine_map<(d0, d1) -> (0, 0, 0, 0)>
#map2 = affine_map<(d0, d1) -> (0, 0, 0)>
#map3 = affine_map<(d0, d1) -> (0)>
module attributes {stable_mosaic.version = 14 : i64} {
  func.func @seg(%arg0: i32, %arg1: i32, %arg2: memref<20000x64xf32, #tpu.memory_space<hbm>>, %arg3: memref<2x16x158x128xi32, #tpu.memory_space<hbm>>, %arg4: memref<16x158x128xi32, #tpu.memory_space<hbm>>, %arg5: memref<640x64xf32, #tpu.memory_space<hbm>>, %arg6: memref<10240xf32, #tpu.memory_space<hbm>>, %arg7: memref<2x10240x64xf32, #tpu.memory_space<hbm>>, %arg8: memref<16x10240xf32, #tpu.memory_space<hbm>>, %arg9: memref<158x128xi32, #tpu.memory_space<vmem>>, %arg10: memref<158x128xi32, #tpu.memory_space<vmem>>, %arg11: memref<128x64xf32, #tpu.memory_space<vmem>>, %arg12: memref<128x64xf32, #tpu.memory_space<vmem>>, %arg13: memref<10240x64xf32, #tpu.memory_space<vmem_shared>>, %arg14: memref<!tpu.dma_semaphore, #tpu.memory_space<semaphore_mem>>, %arg15: memref<!tpu.dma_semaphore, #tpu.memory_space<semaphore_mem>>, %arg16: memref<!tpu.dma_semaphore, #tpu.memory_space<semaphore_mem>>, %arg17: memref<!tpu.dma_semaphore, #tpu.memory_space<semaphore_mem>>, %arg18: memref<10240xf32, #tpu.memory_space<vmem>>) attributes {dimension_semantics = [#tpu.dimension_semantics<core_parallel>, #tpu.dimension_semantics<subcore_parallel>], iteration_bounds = array<i64: 2, 16>, scalar_prefetch = 0 : i64, scratch_operands = 10 : i64, tpu.core_type = #tpu.core_type<sc_vector_subcore>, window_params = [{transform_indices = #map}, {transform_indices = #map1}, {transform_indices = #map2}, {transform_indices = #map}, {transform_indices = #map3}, {transform_indices = #map2}, {transform_indices = #map}]} {
    %mul3A = arith.constant 640 : i32
    %mul3A_0 = arith.muli %arg1, %mul3A : i32
    "tpu.region"() ({
      %run_scoped3A = tpu.sem_alloc : memref<!tpu.dma_semaphore, #tpu.memory_space<semaphore_mem>>
      %dma_start3A_23 = arith.constant 0 : i32
      %dma_start3A_24 = tpu.memref_slice %arg13[%mul3A_0, %dma_start3A_23] : memref<10240x64xf32, #tpu.memory_space<vmem_shared>> -> memref<640x64xf32, #tpu.memory_space<vmem_shared>>
      tpu.enqueue_dma source(%arg5 : memref<640x64xf32, #tpu.memory_space<hbm>>) target(%dma_start3A_24 : memref<640x64xf32, #tpu.memory_space<vmem_shared>>) target_semaphore(%run_scoped3A : memref<!tpu.dma_semaphore, #tpu.memory_space<semaphore_mem>>)
      %dma_wait3A = arith.constant 0 : i32
      %dma_wait3A_25 = tpu.memref_slice %arg13[%mul3A_0, %dma_wait3A] : memref<10240x64xf32, #tpu.memory_space<vmem_shared>> -> memref<640x64xf32, #tpu.memory_space<vmem_shared>>
      tpu.wait_dma2 semaphore(%run_scoped3A : memref<!tpu.dma_semaphore, #tpu.memory_space<semaphore_mem>>) src(%arg5 : memref<640x64xf32, #tpu.memory_space<hbm>>) dst(%dma_wait3A_25 : memref<640x64xf32, #tpu.memory_space<vmem_shared>>)
      tpu.yield
    }) : () -> ()
    "tpu.region"() ({
      %run_scoped3A = tpu.sem_alloc : memref<!tpu.dma_semaphore, #tpu.memory_space<semaphore_mem>>
      %dma_start3A_23 = arith.constant 0 : i32
      %dma_start3A_24 = arith.constant 0 : i32
      %dma_start3A_25 = tpu.memref_slice %arg3[%arg0, %arg1, %dma_start3A_23, %dma_start3A_24] : memref<2x16x158x128xi32, #tpu.memory_space<hbm>> -> memref<1x1x158x128xi32, #tpu.memory_space<hbm>>
      %dma_start3A_26 = tpu.memref_squeeze %dma_start3A_25 : memref<1x1x158x128xi32, #tpu.memory_space<hbm>> -> memref<158x128xi32, #tpu.memory_space<hbm>>
      %dma_start3A_27 = arith.constant 0 : i32
      %dma_start3A_28 = arith.constant 0 : i32
      %dma_start3A_29 = tpu.memref_slice %arg3[%arg0, %arg1, %dma_start3A_27, %dma_start3A_28] : memref<2x16x158x128xi32, #tpu.memory_space<hbm>> -> memref<1x1x158x128xi32, #tpu.memory_space<hbm>>
      %dma_start3A_30 = tpu.memref_squeeze %dma_start3A_29 : memref<1x1x158x128xi32, #tpu.memory_space<hbm>> -> memref<158x128xi32, #tpu.memory_space<hbm>>
      tpu.enqueue_dma source(%dma_start3A_30 : memref<158x128xi32, #tpu.memory_space<hbm>>) target(%arg9 : memref<158x128xi32, #tpu.memory_space<vmem>>) target_semaphore(%run_scoped3A : memref<!tpu.dma_semaphore, #tpu.memory_space<semaphore_mem>>)
      %dma_wait3A = arith.constant 0 : i32
      %dma_wait3A_31 = arith.constant 0 : i32
      %dma_wait3A_32 = tpu.memref_slice %arg3[%arg0, %arg1, %dma_wait3A, %dma_wait3A_31] : memref<2x16x158x128xi32, #tpu.memory_space<hbm>> -> memref<1x1x158x128xi32, #tpu.memory_space<hbm>>
      %dma_wait3A_33 = tpu.memref_squeeze %dma_wait3A_32 : memref<1x1x158x128xi32, #tpu.memory_space<hbm>> -> memref<158x128xi32, #tpu.memory_space<hbm>>
      %dma_wait3A_34 = arith.constant 0 : i32
      %dma_wait3A_35 = arith.constant 0 : i32
      %dma_wait3A_36 = tpu.memref_slice %arg3[%arg0, %arg1, %dma_wait3A_34, %dma_wait3A_35] : memref<2x16x158x128xi32, #tpu.memory_space<hbm>> -> memref<1x1x158x128xi32, #tpu.memory_space<hbm>>
      %dma_wait3A_37 = tpu.memref_squeeze %dma_wait3A_36 : memref<1x1x158x128xi32, #tpu.memory_space<hbm>> -> memref<158x128xi32, #tpu.memory_space<hbm>>
      tpu.wait_dma2 semaphore(%run_scoped3A : memref<!tpu.dma_semaphore, #tpu.memory_space<semaphore_mem>>) src(%dma_wait3A_37 : memref<158x128xi32, #tpu.memory_space<hbm>>) dst(%arg9 : memref<158x128xi32, #tpu.memory_space<vmem>>)
      tpu.yield
    }) : () -> ()
    "tpu.region"() ({
      %run_scoped3A = tpu.sem_alloc : memref<!tpu.dma_semaphore, #tpu.memory_space<semaphore_mem>>
      %dma_start3A_23 = arith.constant 0 : i32
      %dma_start3A_24 = arith.constant 0 : i32
      %dma_start3A_25 = tpu.memref_slice %arg4[%arg1, %dma_start3A_23, %dma_start3A_24] : memref<16x158x128xi32, #tpu.memory_space<hbm>> -> memref<1x158x128xi32, #tpu.memory_space<hbm>>
      %dma_start3A_26 = tpu.memref_squeeze %dma_start3A_25 : memref<1x158x128xi32, #tpu.memory_space<hbm>> -> memref<158x128xi32, #tpu.memory_space<hbm>>
      %dma_start3A_27 = arith.constant 0 : i32
      %dma_start3A_28 = arith.constant 0 : i32
      %dma_start3A_29 = tpu.memref_slice %arg4[%arg1, %dma_start3A_27, %dma_start3A_28] : memref<16x158x128xi32, #tpu.memory_space<hbm>> -> memref<1x158x128xi32, #tpu.memory_space<hbm>>
      %dma_start3A_30 = tpu.memref_squeeze %dma_start3A_29 : memref<1x158x128xi32, #tpu.memory_space<hbm>> -> memref<158x128xi32, #tpu.memory_space<hbm>>
      tpu.enqueue_dma source(%dma_start3A_30 : memref<158x128xi32, #tpu.memory_space<hbm>>) target(%arg10 : memref<158x128xi32, #tpu.memory_space<vmem>>) target_semaphore(%run_scoped3A : memref<!tpu.dma_semaphore, #tpu.memory_space<semaphore_mem>>)
      %dma_wait3A = arith.constant 0 : i32
      %dma_wait3A_31 = arith.constant 0 : i32
      %dma_wait3A_32 = tpu.memref_slice %arg4[%arg1, %dma_wait3A, %dma_wait3A_31] : memref<16x158x128xi32, #tpu.memory_space<hbm>> -> memref<1x158x128xi32, #tpu.memory_space<hbm>>
      %dma_wait3A_33 = tpu.memref_squeeze %dma_wait3A_32 : memref<1x158x128xi32, #tpu.memory_space<hbm>> -> memref<158x128xi32, #tpu.memory_space<hbm>>
      %dma_wait3A_34 = arith.constant 0 : i32
      %dma_wait3A_35 = arith.constant 0 : i32
      %dma_wait3A_36 = tpu.memref_slice %arg4[%arg1, %dma_wait3A_34, %dma_wait3A_35] : memref<16x158x128xi32, #tpu.memory_space<hbm>> -> memref<1x158x128xi32, #tpu.memory_space<hbm>>
      %dma_wait3A_37 = tpu.memref_squeeze %dma_wait3A_36 : memref<1x158x128xi32, #tpu.memory_space<hbm>> -> memref<158x128xi32, #tpu.memory_space<hbm>>
      tpu.wait_dma2 semaphore(%run_scoped3A : memref<!tpu.dma_semaphore, #tpu.memory_space<semaphore_mem>>) src(%dma_wait3A_37 : memref<158x128xi32, #tpu.memory_space<hbm>>) dst(%arg10 : memref<158x128xi32, #tpu.memory_space<vmem>>)
      tpu.yield
    }) : () -> ()
    "tpu.region"() ({
      %run_scoped3A = tpu.sem_alloc : memref<!tpu.dma_semaphore, #tpu.memory_space<semaphore_mem>>
      tpu.enqueue_dma source(%arg6 : memref<10240xf32, #tpu.memory_space<hbm>>) target(%arg18 : memref<10240xf32, #tpu.memory_space<vmem>>) target_semaphore(%run_scoped3A : memref<!tpu.dma_semaphore, #tpu.memory_space<semaphore_mem>>)
      tpu.wait_dma2 semaphore(%run_scoped3A : memref<!tpu.dma_semaphore, #tpu.memory_space<semaphore_mem>>) src(%arg6 : memref<10240xf32, #tpu.memory_space<hbm>>) dst(%arg18 : memref<10240xf32, #tpu.memory_space<vmem>>)
      tpu.yield
    }) : () -> ()
    %barrier3A = arith.constant 0 : index
    tpu.barrier barrier_id(%barrier3A)
    %broadcast_in_dim3A = arith.constant 1.000000e+00 : f32
    %broadcast_in_dim3A_1 = vector.broadcast %broadcast_in_dim3A : f32 to vector<16xf32>
    %dma_start3A = arith.constant 0 : i32
    %dma_start3A_2 = arith.constant 0 : i32
    %dma_start3A_3 = tpu.memref_slice %arg9[%dma_start3A, %dma_start3A_2] : memref<158x128xi32, #tpu.memory_space<vmem>> -> memref<1x128xi32, #tpu.memory_space<vmem>>
    %dma_start3A_4 = tpu.memref_squeeze %dma_start3A_3 : memref<1x128xi32, #tpu.memory_space<vmem>> -> memref<128xi32, #tpu.memory_space<vmem>>
    %dma_start3A_5 = arith.constant 0 : i32
    %dma_start3A_6 = arith.constant 0 : i32
    %dma_start3A_7 = tpu.memref_slice %arg2[%dma_start3A_5, %dma_start3A_6] : memref<20000x64xf32, #tpu.memory_space<hbm>> -> memref<20000x64xf32, #tpu.memory_space<hbm>>
    tpu.enqueue_indirect_dma source(%dma_start3A_7 : memref<20000x64xf32, #tpu.memory_space<hbm>>) target(%arg11 : memref<128x64xf32, #tpu.memory_space<vmem>>) offsets(%dma_start3A_4 : memref<128xi32, #tpu.memory_space<vmem>>) semaphore(%arg14 : memref<!tpu.dma_semaphore, #tpu.memory_space<semaphore_mem>>)
    %dma_start3A_8 = arith.constant 1 : i32
    %dma_start3A_9 = arith.constant 0 : i32
    %dma_start3A_10 = tpu.memref_slice %arg9[%dma_start3A_8, %dma_start3A_9] : memref<158x128xi32, #tpu.memory_space<vmem>> -> memref<1x128xi32, #tpu.memory_space<vmem>>
    %dma_start3A_11 = tpu.memref_squeeze %dma_start3A_10 : memref<1x128xi32, #tpu.memory_space<vmem>> -> memref<128xi32, #tpu.memory_space<vmem>>
    %dma_start3A_12 = arith.constant 0 : i32
    %dma_start3A_13 = arith.constant 0 : i32
    %dma_start3A_14 = tpu.memref_slice %arg2[%dma_start3A_12, %dma_start3A_13] : memref<20000x64xf32, #tpu.memory_space<hbm>> -> memref<20000x64xf32, #tpu.memory_space<hbm>>
    tpu.enqueue_indirect_dma source(%dma_start3A_14 : memref<20000x64xf32, #tpu.memory_space<hbm>>) target(%arg12 : memref<128x64xf32, #tpu.memory_space<vmem>>) offsets(%dma_start3A_11 : memref<128xi32, #tpu.memory_space<vmem>>) semaphore(%arg15 : memref<!tpu.dma_semaphore, #tpu.memory_space<semaphore_mem>>)
    %scan3A = arith.constant 0 : i32
    %scan3A_15 = arith.constant 0 : i32
    %scan3A_16 = arith.constant 79 : i32
    %scan3A_17 = arith.addi %scan3A_15, %scan3A_16 : i32
    %scan3A_18 = arith.constant 1 : i32
    scf.for %scan3A_23 = %scan3A_15 to %scan3A_17 step %scan3A_18  : i32 {
      %mul3A_24 = arith.constant 2 : i32
      %mul3A_25 = arith.muli %scan3A_23, %mul3A_24 : i32
      %add3A = arith.constant 0 : i32
      %add3A_26 = arith.addi %mul3A_25, %add3A : i32
      %dma_wait3A = arith.constant 0 : i32
      %dma_wait3A_27 = tpu.memref_slice %arg9[%add3A_26, %dma_wait3A] : memref<158x128xi32, #tpu.memory_space<vmem>> -> memref<1x128xi32, #tpu.memory_space<vmem>>
      %dma_wait3A_28 = tpu.memref_squeeze %dma_wait3A_27 : memref<1x128xi32, #tpu.memory_space<vmem>> -> memref<128xi32, #tpu.memory_space<vmem>>
      %dma_wait3A_29 = arith.constant 0 : i32
      %dma_wait3A_30 = arith.constant 0 : i32
      %dma_wait3A_31 = tpu.memref_slice %arg2[%dma_wait3A_29, %dma_wait3A_30] : memref<20000x64xf32, #tpu.memory_space<hbm>> -> memref<20000x64xf32, #tpu.memory_space<hbm>>
      tpu.wait_indirect_dma semaphore(%arg14 : memref<!tpu.dma_semaphore, #tpu.memory_space<semaphore_mem>>) src(%dma_wait3A_31 : memref<20000x64xf32, #tpu.memory_space<hbm>>) dst(%arg11 : memref<128x64xf32, #tpu.memory_space<vmem>>)
      %dma_start3A_32 = arith.constant 0 : i32
      %dma_start3A_33 = tpu.memref_slice %arg10[%add3A_26, %dma_start3A_32] : memref<158x128xi32, #tpu.memory_space<vmem>> -> memref<1x128xi32, #tpu.memory_space<vmem>>
      %dma_start3A_34 = tpu.memref_squeeze %dma_start3A_33 : memref<1x128xi32, #tpu.memory_space<vmem>> -> memref<128xi32, #tpu.memory_space<vmem>>
      %dma_start3A_35 = arith.constant 0 : i32
      %dma_start3A_36 = arith.constant 0 : i32
      %dma_start3A_37 = tpu.memref_slice %arg13[%dma_start3A_35, %dma_start3A_36] : memref<10240x64xf32, #tpu.memory_space<vmem_shared>> -> memref<10240x64xf32, #tpu.memory_space<vmem_shared>>
      tpu.enqueue_indirect_dma source(%arg11 : memref<128x64xf32, #tpu.memory_space<vmem>>) target(%dma_start3A_37 : memref<10240x64xf32, #tpu.memory_space<vmem_shared>>) offsets(%dma_start3A_34 : memref<128xi32, #tpu.memory_space<vmem>>) semaphore(%arg16 : memref<!tpu.dma_semaphore, #tpu.memory_space<semaphore_mem>>) {add = true}
      %add3A_38 = arith.constant 1 : i32
      %add3A_39 = arith.addi %mul3A_25, %add3A_38 : i32
      %dma_wait3A_40 = arith.constant 0 : i32
      %dma_wait3A_41 = tpu.memref_slice %arg9[%add3A_39, %dma_wait3A_40] : memref<158x128xi32, #tpu.memory_space<vmem>> -> memref<1x128xi32, #tpu.memory_space<vmem>>
      %dma_wait3A_42 = tpu.memref_squeeze %dma_wait3A_41 : memref<1x128xi32, #tpu.memory_space<vmem>> -> memref<128xi32, #tpu.memory_space<vmem>>
      %dma_wait3A_43 = arith.constant 0 : i32
      %dma_wait3A_44 = arith.constant 0 : i32
      %dma_wait3A_45 = tpu.memref_slice %arg2[%dma_wait3A_43, %dma_wait3A_44] : memref<20000x64xf32, #tpu.memory_space<hbm>> -> memref<20000x64xf32, #tpu.memory_space<hbm>>
      tpu.wait_indirect_dma semaphore(%arg15 : memref<!tpu.dma_semaphore, #tpu.memory_space<semaphore_mem>>) src(%dma_wait3A_45 : memref<20000x64xf32, #tpu.memory_space<hbm>>) dst(%arg12 : memref<128x64xf32, #tpu.memory_space<vmem>>)
      %dma_start3A_46 = arith.constant 0 : i32
      %dma_start3A_47 = tpu.memref_slice %arg10[%add3A_39, %dma_start3A_46] : memref<158x128xi32, #tpu.memory_space<vmem>> -> memref<1x128xi32, #tpu.memory_space<vmem>>
      %dma_start3A_48 = tpu.memref_squeeze %dma_start3A_47 : memref<1x128xi32, #tpu.memory_space<vmem>> -> memref<128xi32, #tpu.memory_space<vmem>>
      %dma_start3A_49 = arith.constant 0 : i32
      %dma_start3A_50 = arith.constant 0 : i32
      %dma_start3A_51 = tpu.memref_slice %arg13[%dma_start3A_49, %dma_start3A_50] : memref<10240x64xf32, #tpu.memory_space<vmem_shared>> -> memref<10240x64xf32, #tpu.memory_space<vmem_shared>>
      tpu.enqueue_indirect_dma source(%arg12 : memref<128x64xf32, #tpu.memory_space<vmem>>) target(%dma_start3A_51 : memref<10240x64xf32, #tpu.memory_space<vmem_shared>>) offsets(%dma_start3A_48 : memref<128xi32, #tpu.memory_space<vmem>>) semaphore(%arg17 : memref<!tpu.dma_semaphore, #tpu.memory_space<semaphore_mem>>) {add = true}
      %eq3A_52 = arith.constant 0 : i32
      %eq3A_53 = arith.cmpi eq, %arg0, %eq3A_52 : i32
      %convert_element_type3A_54 = arith.extui %eq3A_53 : i1 to i32
      %cond3A_55 = arith.constant 0 : i32
      %cond3A_56 = arith.cmpi ne, %convert_element_type3A_54, %cond3A_55 : i32
      scf.if %cond3A_56 {
        %add3A_86 = arith.constant 0 : i32
        %add3A_87 = arith.addi %mul3A_25, %add3A_86 : i32
        %get3A = arith.index_cast %add3A_87 : i32 to index
        %get3A_88 = arith.constant 0 : index
        %get3A_89 = tpu.vector_load %arg10[%get3A, %get3A_88] {strides = array<i32>} : memref<158x128xi32, #tpu.memory_space<vmem>>, vector<16xi32>,
        tpu.vector_store_idx %arg18[%get3A_89], %broadcast_in_dim3A_1 {add = true} : memref<10240xf32, #tpu.memory_space<vmem>>[vector<16xi32>], vector<16xf32>,
        %add3A_90 = arith.constant 0 : i32
        %add3A_91 = arith.addi %mul3A_25, %add3A_90 : i32
        %get3A_92 = arith.index_cast %add3A_91 : i32 to index
        %get3A_93 = arith.constant 16 : index
        %get3A_94 = tpu.vector_load %arg10[%get3A_92, %get3A_93] {strides = array<i32>} : memref<158x128xi32, #tpu.memory_space<vmem>>, vector<16xi32>,
        tpu.vector_store_idx %arg18[%get3A_94], %broadcast_in_dim3A_1 {add = true} : memref<10240xf32, #tpu.memory_space<vmem>>[vector<16xi32>], vector<16xf32>,
        %add3A_95 = arith.constant 0 : i32
        %add3A_96 = arith.addi %mul3A_25, %add3A_95 : i32
        %get3A_97 = arith.index_cast %add3A_96 : i32 to index
        %get3A_98 = arith.constant 32 : index
        %get3A_99 = tpu.vector_load %arg10[%get3A_97, %get3A_98] {strides = array<i32>} : memref<158x128xi32, #tpu.memory_space<vmem>>, vector<16xi32>,
        tpu.vector_store_idx %arg18[%get3A_99], %broadcast_in_dim3A_1 {add = true} : memref<10240xf32, #tpu.memory_space<vmem>>[vector<16xi32>], vector<16xf32>,
        %add3A_100 = arith.constant 0 : i32
        %add3A_101 = arith.addi %mul3A_25, %add3A_100 : i32
        %get3A_102 = arith.index_cast %add3A_101 : i32 to index
        %get3A_103 = arith.constant 48 : index
        %get3A_104 = tpu.vector_load %arg10[%get3A_102, %get3A_103] {strides = array<i32>} : memref<158x128xi32, #tpu.memory_space<vmem>>, vector<16xi32>,
        tpu.vector_store_idx %arg18[%get3A_104], %broadcast_in_dim3A_1 {add = true} : memref<10240xf32, #tpu.memory_space<vmem>>[vector<16xi32>], vector<16xf32>,
        %add3A_105 = arith.constant 0 : i32
        %add3A_106 = arith.addi %mul3A_25, %add3A_105 : i32
        %get3A_107 = arith.index_cast %add3A_106 : i32 to index
        %get3A_108 = arith.constant 64 : index
        %get3A_109 = tpu.vector_load %arg10[%get3A_107, %get3A_108] {strides = array<i32>} : memref<158x128xi32, #tpu.memory_space<vmem>>, vector<16xi32>,
        tpu.vector_store_idx %arg18[%get3A_109], %broadcast_in_dim3A_1 {add = true} : memref<10240xf32, #tpu.memory_space<vmem>>[vector<16xi32>], vector<16xf32>,
        %add3A_110 = arith.constant 0 : i32
        %add3A_111 = arith.addi %mul3A_25, %add3A_110 : i32
        %get3A_112 = arith.index_cast %add3A_111 : i32 to index
        %get3A_113 = arith.constant 80 : index
        %get3A_114 = tpu.vector_load %arg10[%get3A_112, %get3A_113] {strides = array<i32>} : memref<158x128xi32, #tpu.memory_space<vmem>>, vector<16xi32>,
        tpu.vector_store_idx %arg18[%get3A_114], %broadcast_in_dim3A_1 {add = true} : memref<10240xf32, #tpu.memory_space<vmem>>[vector<16xi32>], vector<16xf32>,
        %add3A_115 = arith.constant 0 : i32
        %add3A_116 = arith.addi %mul3A_25, %add3A_115 : i32
        %get3A_117 = arith.index_cast %add3A_116 : i32 to index
        %get3A_118 = arith.constant 96 : index
        %get3A_119 = tpu.vector_load %arg10[%get3A_117, %get3A_118] {strides = array<i32>} : memref<158x128xi32, #tpu.memory_space<vmem>>, vector<16xi32>,
        tpu.vector_store_idx %arg18[%get3A_119], %broadcast_in_dim3A_1 {add = true} : memref<10240xf32, #tpu.memory_space<vmem>>[vector<16xi32>], vector<16xf32>,
        %add3A_120 = arith.constant 0 : i32
        %add3A_121 = arith.addi %mul3A_25, %add3A_120 : i32
        %get3A_122 = arith.index_cast %add3A_121 : i32 to index
        %get3A_123 = arith.constant 112 : index
        %get3A_124 = tpu.vector_load %arg10[%get3A_122, %get3A_123] {strides = array<i32>} : memref<158x128xi32, #tpu.memory_space<vmem>>, vector<16xi32>,
        tpu.vector_store_idx %arg18[%get3A_124], %broadcast_in_dim3A_1 {add = true} : memref<10240xf32, #tpu.memory_space<vmem>>[vector<16xi32>], vector<16xf32>,
        %add3A_125 = arith.constant 1 : i32
        %add3A_126 = arith.addi %mul3A_25, %add3A_125 : i32
        %get3A_127 = arith.index_cast %add3A_126 : i32 to index
        %get3A_128 = arith.constant 0 : index
        %get3A_129 = tpu.vector_load %arg10[%get3A_127, %get3A_128] {strides = array<i32>} : memref<158x128xi32, #tpu.memory_space<vmem>>, vector<16xi32>,
        tpu.vector_store_idx %arg18[%get3A_129], %broadcast_in_dim3A_1 {add = true} : memref<10240xf32, #tpu.memory_space<vmem>>[vector<16xi32>], vector<16xf32>,
        %add3A_130 = arith.constant 1 : i32
        %add3A_131 = arith.addi %mul3A_25, %add3A_130 : i32
        %get3A_132 = arith.index_cast %add3A_131 : i32 to index
        %get3A_133 = arith.constant 16 : index
        %get3A_134 = tpu.vector_load %arg10[%get3A_132, %get3A_133] {strides = array<i32>} : memref<158x128xi32, #tpu.memory_space<vmem>>, vector<16xi32>,
        tpu.vector_store_idx %arg18[%get3A_134], %broadcast_in_dim3A_1 {add = true} : memref<10240xf32, #tpu.memory_space<vmem>>[vector<16xi32>], vector<16xf32>,
        %add3A_135 = arith.constant 1 : i32
        %add3A_136 = arith.addi %mul3A_25, %add3A_135 : i32
        %get3A_137 = arith.index_cast %add3A_136 : i32 to index
        %get3A_138 = arith.constant 32 : index
        %get3A_139 = tpu.vector_load %arg10[%get3A_137, %get3A_138] {strides = array<i32>} : memref<158x128xi32, #tpu.memory_space<vmem>>, vector<16xi32>,
        tpu.vector_store_idx %arg18[%get3A_139], %broadcast_in_dim3A_1 {add = true} : memref<10240xf32, #tpu.memory_space<vmem>>[vector<16xi32>], vector<16xf32>,
        %add3A_140 = arith.constant 1 : i32
        %add3A_141 = arith.addi %mul3A_25, %add3A_140 : i32
        %get3A_142 = arith.index_cast %add3A_141 : i32 to index
        %get3A_143 = arith.constant 48 : index
        %get3A_144 = tpu.vector_load %arg10[%get3A_142, %get3A_143] {strides = array<i32>} : memref<158x128xi32, #tpu.memory_space<vmem>>, vector<16xi32>,
        tpu.vector_store_idx %arg18[%get3A_144], %broadcast_in_dim3A_1 {add = true} : memref<10240xf32, #tpu.memory_space<vmem>>[vector<16xi32>], vector<16xf32>,
        %add3A_145 = arith.constant 1 : i32
        %add3A_146 = arith.addi %mul3A_25, %add3A_145 : i32
        %get3A_147 = arith.index_cast %add3A_146 : i32 to index
        %get3A_148 = arith.constant 64 : index
        %get3A_149 = tpu.vector_load %arg10[%get3A_147, %get3A_148] {strides = array<i32>} : memref<158x128xi32, #tpu.memory_space<vmem>>, vector<16xi32>,
        tpu.vector_store_idx %arg18[%get3A_149], %broadcast_in_dim3A_1 {add = true} : memref<10240xf32, #tpu.memory_space<vmem>>[vector<16xi32>], vector<16xf32>,
        %add3A_150 = arith.constant 1 : i32
        %add3A_151 = arith.addi %mul3A_25, %add3A_150 : i32
        %get3A_152 = arith.index_cast %add3A_151 : i32 to index
        %get3A_153 = arith.constant 80 : index
        %get3A_154 = tpu.vector_load %arg10[%get3A_152, %get3A_153] {strides = array<i32>} : memref<158x128xi32, #tpu.memory_space<vmem>>, vector<16xi32>,
        tpu.vector_store_idx %arg18[%get3A_154], %broadcast_in_dim3A_1 {add = true} : memref<10240xf32, #tpu.memory_space<vmem>>[vector<16xi32>], vector<16xf32>,
        %add3A_155 = arith.constant 1 : i32
        %add3A_156 = arith.addi %mul3A_25, %add3A_155 : i32
        %get3A_157 = arith.index_cast %add3A_156 : i32 to index
        %get3A_158 = arith.constant 96 : index
        %get3A_159 = tpu.vector_load %arg10[%get3A_157, %get3A_158] {strides = array<i32>} : memref<158x128xi32, #tpu.memory_space<vmem>>, vector<16xi32>,
        tpu.vector_store_idx %arg18[%get3A_159], %broadcast_in_dim3A_1 {add = true} : memref<10240xf32, #tpu.memory_space<vmem>>[vector<16xi32>], vector<16xf32>,
        %add3A_160 = arith.constant 1 : i32
        %add3A_161 = arith.addi %mul3A_25, %add3A_160 : i32
        %get3A_162 = arith.index_cast %add3A_161 : i32 to index
        %get3A_163 = arith.constant 112 : index
        %get3A_164 = tpu.vector_load %arg10[%get3A_162, %get3A_163] {strides = array<i32>} : memref<158x128xi32, #tpu.memory_space<vmem>>, vector<16xi32>,
        tpu.vector_store_idx %arg18[%get3A_164], %broadcast_in_dim3A_1 {add = true} : memref<10240xf32, #tpu.memory_space<vmem>>[vector<16xi32>], vector<16xf32>,
      } else {
      }
      %dma_wait3A_57 = arith.constant 0 : i32
      %dma_wait3A_58 = tpu.memref_slice %arg10[%add3A_26, %dma_wait3A_57] : memref<158x128xi32, #tpu.memory_space<vmem>> -> memref<1x128xi32, #tpu.memory_space<vmem>>
      %dma_wait3A_59 = tpu.memref_squeeze %dma_wait3A_58 : memref<1x128xi32, #tpu.memory_space<vmem>> -> memref<128xi32, #tpu.memory_space<vmem>>
      %dma_wait3A_60 = arith.constant 0 : i32
      %dma_wait3A_61 = arith.constant 0 : i32
      %dma_wait3A_62 = tpu.memref_slice %arg13[%dma_wait3A_60, %dma_wait3A_61] : memref<10240x64xf32, #tpu.memory_space<vmem_shared>> -> memref<10240x64xf32, #tpu.memory_space<vmem_shared>>
      tpu.wait_indirect_dma semaphore(%arg16 : memref<!tpu.dma_semaphore, #tpu.memory_space<semaphore_mem>>) src(%arg11 : memref<128x64xf32, #tpu.memory_space<vmem>>) dst(%dma_wait3A_62 : memref<10240x64xf32, #tpu.memory_space<vmem_shared>>)
      %add3A_63 = arith.constant 0 : i32
      %add3A_64 = arith.addi %mul3A_25, %add3A_63 : i32
      %add3A_65 = arith.constant 2 : i32
      %add3A_66 = arith.addi %add3A_64, %add3A_65 : i32
      %lt3A = arith.constant 158 : i32
      %lt3A_67 = arith.cmpi slt, %add3A_66, %lt3A : i32
      %convert_element_type3A_68 = arith.extui %lt3A_67 : i1 to i32
      %cond3A_69 = arith.constant 0 : i32
      %cond3A_70 = arith.cmpi ne, %convert_element_type3A_68, %cond3A_69 : i32
      scf.if %cond3A_70 {
        %add3A_86 = arith.constant 0 : i32
        %add3A_87 = arith.addi %mul3A_25, %add3A_86 : i32
        %add3A_88 = arith.constant 2 : i32
        %add3A_89 = arith.addi %add3A_87, %add3A_88 : i32
        %dma_start3A_90 = arith.constant 0 : i32
        %dma_start3A_91 = tpu.memref_slice %arg9[%add3A_89, %dma_start3A_90] : memref<158x128xi32, #tpu.memory_space<vmem>> -> memref<1x128xi32, #tpu.memory_space<vmem>>
        %dma_start3A_92 = tpu.memref_squeeze %dma_start3A_91 : memref<1x128xi32, #tpu.memory_space<vmem>> -> memref<128xi32, #tpu.memory_space<vmem>>
        %dma_start3A_93 = arith.constant 0 : i32
        %dma_start3A_94 = arith.constant 0 : i32
        %dma_start3A_95 = tpu.memref_slice %arg2[%dma_start3A_93, %dma_start3A_94] : memref<20000x64xf32, #tpu.memory_space<hbm>> -> memref<20000x64xf32, #tpu.memory_space<hbm>>
        tpu.enqueue_indirect_dma source(%dma_start3A_95 : memref<20000x64xf32, #tpu.memory_space<hbm>>) target(%arg11 : memref<128x64xf32, #tpu.memory_space<vmem>>) offsets(%dma_start3A_92 : memref<128xi32, #tpu.memory_space<vmem>>) semaphore(%arg14 : memref<!tpu.dma_semaphore, #tpu.memory_space<semaphore_mem>>)
      } else {
      }
      %dma_wait3A_71 = arith.constant 0 : i32
      %dma_wait3A_72 = tpu.memref_slice %arg10[%add3A_39, %dma_wait3A_71] : memref<158x128xi32, #tpu.memory_space<vmem>> -> memref<1x128xi32, #tpu.memory_space<vmem>>
      %dma_wait3A_73 = tpu.memref_squeeze %dma_wait3A_72 : memref<1x128xi32, #tpu.memory_space<vmem>> -> memref<128xi32, #tpu.memory_space<vmem>>
      %dma_wait3A_74 = arith.constant 0 : i32
      %dma_wait3A_75 = arith.constant 0 : i32
      %dma_wait3A_76 = tpu.memref_slice %arg13[%dma_wait3A_74, %dma_wait3A_75] : memref<10240x64xf32, #tpu.memory_space<vmem_shared>> -> memref<10240x64xf32, #tpu.memory_space<vmem_shared>>
      tpu.wait_indirect_dma semaphore(%arg17 : memref<!tpu.dma_semaphore, #tpu.memory_space<semaphore_mem>>) src(%arg12 : memref<128x64xf32, #tpu.memory_space<vmem>>) dst(%dma_wait3A_76 : memref<10240x64xf32, #tpu.memory_space<vmem_shared>>)
      %add3A_77 = arith.constant 1 : i32
      %add3A_78 = arith.addi %mul3A_25, %add3A_77 : i32
      %add3A_79 = arith.constant 2 : i32
      %add3A_80 = arith.addi %add3A_78, %add3A_79 : i32
      %lt3A_81 = arith.constant 158 : i32
      %lt3A_82 = arith.cmpi slt, %add3A_80, %lt3A_81 : i32
      %convert_element_type3A_83 = arith.extui %lt3A_82 : i1 to i32
      %cond3A_84 = arith.constant 0 : i32
      %cond3A_85 = arith.cmpi ne, %convert_element_type3A_83, %cond3A_84 : i32
      scf.if %cond3A_85 {
        %add3A_86 = arith.constant 1 : i32
        %add3A_87 = arith.addi %mul3A_25, %add3A_86 : i32
        %add3A_88 = arith.constant 2 : i32
        %add3A_89 = arith.addi %add3A_87, %add3A_88 : i32
        %dma_start3A_90 = arith.constant 0 : i32
        %dma_start3A_91 = tpu.memref_slice %arg9[%add3A_89, %dma_start3A_90] : memref<158x128xi32, #tpu.memory_space<vmem>> -> memref<1x128xi32, #tpu.memory_space<vmem>>
        %dma_start3A_92 = tpu.memref_squeeze %dma_start3A_91 : memref<1x128xi32, #tpu.memory_space<vmem>> -> memref<128xi32, #tpu.memory_space<vmem>>
        %dma_start3A_93 = arith.constant 0 : i32
        %dma_start3A_94 = arith.constant 0 : i32
        %dma_start3A_95 = tpu.memref_slice %arg2[%dma_start3A_93, %dma_start3A_94] : memref<20000x64xf32, #tpu.memory_space<hbm>> -> memref<20000x64xf32, #tpu.memory_space<hbm>>
        tpu.enqueue_indirect_dma source(%dma_start3A_95 : memref<20000x64xf32, #tpu.memory_space<hbm>>) target(%arg12 : memref<128x64xf32, #tpu.memory_space<vmem>>) offsets(%dma_start3A_92 : memref<128xi32, #tpu.memory_space<vmem>>) semaphore(%arg15 : memref<!tpu.dma_semaphore, #tpu.memory_space<semaphore_mem>>)
      } else {
      }
    }
    %scan3A_19 = arith.constant 79 : i32
    %barrier3A_20 = arith.constant 0 : index
    tpu.barrier barrier_id(%barrier3A_20)
    "tpu.region"() ({
      %run_scoped3A = tpu.sem_alloc : memref<!tpu.dma_semaphore, #tpu.memory_space<semaphore_mem>>
      %dma_start3A_23 = arith.constant 0 : i32
      %dma_start3A_24 = arith.constant 0 : i32
      %dma_start3A_25 = tpu.memref_slice %arg7[%arg0, %dma_start3A_23, %dma_start3A_24] : memref<2x10240x64xf32, #tpu.memory_space<hbm>> -> memref<1x10240x64xf32, #tpu.memory_space<hbm>>
      %dma_start3A_26 = tpu.memref_squeeze %dma_start3A_25 : memref<1x10240x64xf32, #tpu.memory_space<hbm>> -> memref<10240x64xf32, #tpu.memory_space<hbm>>
      %dma_start3A_27 = arith.constant 0 : i32
      %dma_start3A_28 = tpu.memref_slice %dma_start3A_26[%mul3A_0, %dma_start3A_27] : memref<10240x64xf32, #tpu.memory_space<hbm>> -> memref<640x64xf32, #tpu.memory_space<hbm>>
      %dma_start3A_29 = arith.constant 0 : i32
      %dma_start3A_30 = tpu.memref_slice %arg13[%mul3A_0, %dma_start3A_29] : memref<10240x64xf32, #tpu.memory_space<vmem_shared>> -> memref<640x64xf32, #tpu.memory_space<vmem_shared>>
      tpu.enqueue_dma source(%dma_start3A_30 : memref<640x64xf32, #tpu.memory_space<vmem_shared>>) target(%dma_start3A_28 : memref<640x64xf32, #tpu.memory_space<hbm>>) target_semaphore(%run_scoped3A : memref<!tpu.dma_semaphore, #tpu.memory_space<semaphore_mem>>)
      %dma_wait3A = arith.constant 0 : i32
      %dma_wait3A_31 = arith.constant 0 : i32
      %dma_wait3A_32 = tpu.memref_slice %arg7[%arg0, %dma_wait3A, %dma_wait3A_31] : memref<2x10240x64xf32, #tpu.memory_space<hbm>> -> memref<1x10240x64xf32, #tpu.memory_space<hbm>>
      %dma_wait3A_33 = tpu.memref_squeeze %dma_wait3A_32 : memref<1x10240x64xf32, #tpu.memory_space<hbm>> -> memref<10240x64xf32, #tpu.memory_space<hbm>>
      %dma_wait3A_34 = arith.constant 0 : i32
      %dma_wait3A_35 = tpu.memref_slice %dma_wait3A_33[%mul3A_0, %dma_wait3A_34] : memref<10240x64xf32, #tpu.memory_space<hbm>> -> memref<640x64xf32, #tpu.memory_space<hbm>>
      %dma_wait3A_36 = arith.constant 0 : i32
      %dma_wait3A_37 = tpu.memref_slice %arg13[%mul3A_0, %dma_wait3A_36] : memref<10240x64xf32, #tpu.memory_space<vmem_shared>> -> memref<640x64xf32, #tpu.memory_space<vmem_shared>>
      tpu.wait_dma2 semaphore(%run_scoped3A : memref<!tpu.dma_semaphore, #tpu.memory_space<semaphore_mem>>) src(%dma_wait3A_37 : memref<640x64xf32, #tpu.memory_space<vmem_shared>>) dst(%dma_wait3A_35 : memref<640x64xf32, #tpu.memory_space<hbm>>)
      tpu.yield
    }) : () -> ()
    %eq3A = arith.constant 0 : i32
    %eq3A_21 = arith.cmpi eq, %arg0, %eq3A : i32
    %convert_element_type3A = arith.extui %eq3A_21 : i1 to i32
    %cond3A = arith.constant 0 : i32
    %cond3A_22 = arith.cmpi ne, %convert_element_type3A, %cond3A : i32
    scf.if %cond3A_22 {
      "tpu.region"() ({
        %run_scoped3A = tpu.sem_alloc : memref<!tpu.dma_semaphore, #tpu.memory_space<semaphore_mem>>
        %dma_start3A_23 = arith.constant 0 : i32
        %dma_start3A_24 = tpu.memref_slice %arg8[%arg1, %dma_start3A_23] : memref<16x10240xf32, #tpu.memory_space<hbm>> -> memref<1x10240xf32, #tpu.memory_space<hbm>>
        %dma_start3A_25 = tpu.memref_squeeze %dma_start3A_24 : memref<1x10240xf32, #tpu.memory_space<hbm>> -> memref<10240xf32, #tpu.memory_space<hbm>>
        %dma_start3A_26 = arith.constant 0 : i32
        %dma_start3A_27 = tpu.memref_slice %arg8[%arg1, %dma_start3A_26] : memref<16x10240xf32, #tpu.memory_space<hbm>> -> memref<1x10240xf32, #tpu.memory_space<hbm>>
        %dma_start3A_28 = tpu.memref_squeeze %dma_start3A_27 : memref<1x10240xf32, #tpu.memory_space<hbm>> -> memref<10240xf32, #tpu.memory_space<hbm>>
        tpu.enqueue_dma source(%arg18 : memref<10240xf32, #tpu.memory_space<vmem>>) target(%dma_start3A_28 : memref<10240xf32, #tpu.memory_space<hbm>>) target_semaphore(%run_scoped3A : memref<!tpu.dma_semaphore, #tpu.memory_space<semaphore_mem>>)
        %dma_wait3A = arith.constant 0 : i32
        %dma_wait3A_29 = tpu.memref_slice %arg8[%arg1, %dma_wait3A] : memref<16x10240xf32, #tpu.memory_space<hbm>> -> memref<1x10240xf32, #tpu.memory_space<hbm>>
        %dma_wait3A_30 = tpu.memref_squeeze %dma_wait3A_29 : memref<1x10240xf32, #tpu.memory_space<hbm>> -> memref<10240xf32, #tpu.memory_space<hbm>>
        %dma_wait3A_31 = arith.constant 0 : i32
        %dma_wait3A_32 = tpu.memref_slice %arg8[%arg1, %dma_wait3A_31] : memref<16x10240xf32, #tpu.memory_space<hbm>> -> memref<1x10240xf32, #tpu.memory_space<hbm>>
        %dma_wait3A_33 = tpu.memref_squeeze %dma_wait3A_32 : memref<1x10240xf32, #tpu.memory_space<hbm>> -> memref<10240xf32, #tpu.memory_space<hbm>>
        tpu.wait_dma2 semaphore(%run_scoped3A : memref<!tpu.dma_semaphore, #tpu.memory_space<semaphore_mem>>) src(%arg18 : memref<10240xf32, #tpu.memory_space<vmem>>) dst(%dma_wait3A_33 : memref<10240xf32, #tpu.memory_space<hbm>>)
        tpu.yield
      }) : () -> ()
    } else {
    }
    return
  }
}

#map = affine_map<(d0, d1) -> (0, 0)>
#map1 = affine_map<(d0, d1) -> (0, 0, 0, 0)>
#map2 = affine_map<(d0, d1) -> (0, 0, 0)>
module attributes {stable_mosaic.version = 14 : i64} {
  func.func @seg(%arg0: i32, %arg1: i32, %arg2: memref<20000x32xf32, #tpu.memory_space<hbm>>, %arg3: memref<2x16x158x128xi32, #tpu.memory_space<hbm>>, %arg4: memref<16x158x128xi32, #tpu.memory_space<hbm>>, %arg5: memref<640x32xf32, #tpu.memory_space<hbm>>, %arg6: memref<2x10240x32xf32, #tpu.memory_space<hbm>>, %arg7: memref<158x128xi32, #tpu.memory_space<vmem>>, %arg8: memref<158x128xi32, #tpu.memory_space<vmem>>, %arg9: memref<128x32xf32, #tpu.memory_space<vmem>>, %arg10: memref<128x32xf32, #tpu.memory_space<vmem>>, %arg11: memref<10240x32xf32, #tpu.memory_space<vmem_shared>>, %arg12: memref<!tpu.dma_semaphore, #tpu.memory_space<semaphore_mem>>, %arg13: memref<!tpu.dma_semaphore, #tpu.memory_space<semaphore_mem>>, %arg14: memref<!tpu.dma_semaphore, #tpu.memory_space<semaphore_mem>>, %arg15: memref<!tpu.dma_semaphore, #tpu.memory_space<semaphore_mem>>) attributes {dimension_semantics = [#tpu.dimension_semantics<core_parallel>, #tpu.dimension_semantics<subcore_parallel>], iteration_bounds = array<i64: 2, 16>, scalar_prefetch = 0 : i64, scratch_operands = 9 : i64, tpu.core_type = #tpu.core_type<sc_vector_subcore>, window_params = [{transform_indices = #map}, {transform_indices = #map1}, {transform_indices = #map2}, {transform_indices = #map}, {transform_indices = #map2}]} {
    %mul3A = arith.constant 640 : i32
    %mul3A_0 = arith.muli %arg1, %mul3A : i32
    "tpu.region"() ({
      %run_scoped3A = tpu.sem_alloc : memref<!tpu.dma_semaphore, #tpu.memory_space<semaphore_mem>>
      %dma_start3A_21 = arith.constant 0 : i32
      %dma_start3A_22 = tpu.memref_slice %arg11[%mul3A_0, %dma_start3A_21] : memref<10240x32xf32, #tpu.memory_space<vmem_shared>> -> memref<640x32xf32, #tpu.memory_space<vmem_shared>>
      tpu.enqueue_dma source(%arg5 : memref<640x32xf32, #tpu.memory_space<hbm>>) target(%dma_start3A_22 : memref<640x32xf32, #tpu.memory_space<vmem_shared>>) target_semaphore(%run_scoped3A : memref<!tpu.dma_semaphore, #tpu.memory_space<semaphore_mem>>)
      %dma_wait3A = arith.constant 0 : i32
      %dma_wait3A_23 = tpu.memref_slice %arg11[%mul3A_0, %dma_wait3A] : memref<10240x32xf32, #tpu.memory_space<vmem_shared>> -> memref<640x32xf32, #tpu.memory_space<vmem_shared>>
      tpu.wait_dma2 semaphore(%run_scoped3A : memref<!tpu.dma_semaphore, #tpu.memory_space<semaphore_mem>>) src(%arg5 : memref<640x32xf32, #tpu.memory_space<hbm>>) dst(%dma_wait3A_23 : memref<640x32xf32, #tpu.memory_space<vmem_shared>>)
      tpu.yield
    }) : () -> ()
    "tpu.region"() ({
      %run_scoped3A = tpu.sem_alloc : memref<!tpu.dma_semaphore, #tpu.memory_space<semaphore_mem>>
      %dma_start3A_21 = arith.constant 0 : i32
      %dma_start3A_22 = arith.constant 0 : i32
      %dma_start3A_23 = tpu.memref_slice %arg3[%arg0, %arg1, %dma_start3A_21, %dma_start3A_22] : memref<2x16x158x128xi32, #tpu.memory_space<hbm>> -> memref<1x1x158x128xi32, #tpu.memory_space<hbm>>
      %dma_start3A_24 = tpu.memref_squeeze %dma_start3A_23 : memref<1x1x158x128xi32, #tpu.memory_space<hbm>> -> memref<158x128xi32, #tpu.memory_space<hbm>>
      %dma_start3A_25 = arith.constant 0 : i32
      %dma_start3A_26 = arith.constant 0 : i32
      %dma_start3A_27 = tpu.memref_slice %arg3[%arg0, %arg1, %dma_start3A_25, %dma_start3A_26] : memref<2x16x158x128xi32, #tpu.memory_space<hbm>> -> memref<1x1x158x128xi32, #tpu.memory_space<hbm>>
      %dma_start3A_28 = tpu.memref_squeeze %dma_start3A_27 : memref<1x1x158x128xi32, #tpu.memory_space<hbm>> -> memref<158x128xi32, #tpu.memory_space<hbm>>
      tpu.enqueue_dma source(%dma_start3A_28 : memref<158x128xi32, #tpu.memory_space<hbm>>) target(%arg7 : memref<158x128xi32, #tpu.memory_space<vmem>>) target_semaphore(%run_scoped3A : memref<!tpu.dma_semaphore, #tpu.memory_space<semaphore_mem>>)
      %dma_wait3A = arith.constant 0 : i32
      %dma_wait3A_29 = arith.constant 0 : i32
      %dma_wait3A_30 = tpu.memref_slice %arg3[%arg0, %arg1, %dma_wait3A, %dma_wait3A_29] : memref<2x16x158x128xi32, #tpu.memory_space<hbm>> -> memref<1x1x158x128xi32, #tpu.memory_space<hbm>>
      %dma_wait3A_31 = tpu.memref_squeeze %dma_wait3A_30 : memref<1x1x158x128xi32, #tpu.memory_space<hbm>> -> memref<158x128xi32, #tpu.memory_space<hbm>>
      %dma_wait3A_32 = arith.constant 0 : i32
      %dma_wait3A_33 = arith.constant 0 : i32
      %dma_wait3A_34 = tpu.memref_slice %arg3[%arg0, %arg1, %dma_wait3A_32, %dma_wait3A_33] : memref<2x16x158x128xi32, #tpu.memory_space<hbm>> -> memref<1x1x158x128xi32, #tpu.memory_space<hbm>>
      %dma_wait3A_35 = tpu.memref_squeeze %dma_wait3A_34 : memref<1x1x158x128xi32, #tpu.memory_space<hbm>> -> memref<158x128xi32, #tpu.memory_space<hbm>>
      tpu.wait_dma2 semaphore(%run_scoped3A : memref<!tpu.dma_semaphore, #tpu.memory_space<semaphore_mem>>) src(%dma_wait3A_35 : memref<158x128xi32, #tpu.memory_space<hbm>>) dst(%arg7 : memref<158x128xi32, #tpu.memory_space<vmem>>)
      tpu.yield
    }) : () -> ()
    "tpu.region"() ({
      %run_scoped3A = tpu.sem_alloc : memref<!tpu.dma_semaphore, #tpu.memory_space<semaphore_mem>>
      %dma_start3A_21 = arith.constant 0 : i32
      %dma_start3A_22 = arith.constant 0 : i32
      %dma_start3A_23 = tpu.memref_slice %arg4[%arg1, %dma_start3A_21, %dma_start3A_22] : memref<16x158x128xi32, #tpu.memory_space<hbm>> -> memref<1x158x128xi32, #tpu.memory_space<hbm>>
      %dma_start3A_24 = tpu.memref_squeeze %dma_start3A_23 : memref<1x158x128xi32, #tpu.memory_space<hbm>> -> memref<158x128xi32, #tpu.memory_space<hbm>>
      %dma_start3A_25 = arith.constant 0 : i32
      %dma_start3A_26 = arith.constant 0 : i32
      %dma_start3A_27 = tpu.memref_slice %arg4[%arg1, %dma_start3A_25, %dma_start3A_26] : memref<16x158x128xi32, #tpu.memory_space<hbm>> -> memref<1x158x128xi32, #tpu.memory_space<hbm>>
      %dma_start3A_28 = tpu.memref_squeeze %dma_start3A_27 : memref<1x158x128xi32, #tpu.memory_space<hbm>> -> memref<158x128xi32, #tpu.memory_space<hbm>>
      tpu.enqueue_dma source(%dma_start3A_28 : memref<158x128xi32, #tpu.memory_space<hbm>>) target(%arg8 : memref<158x128xi32, #tpu.memory_space<vmem>>) target_semaphore(%run_scoped3A : memref<!tpu.dma_semaphore, #tpu.memory_space<semaphore_mem>>)
      %dma_wait3A = arith.constant 0 : i32
      %dma_wait3A_29 = arith.constant 0 : i32
      %dma_wait3A_30 = tpu.memref_slice %arg4[%arg1, %dma_wait3A, %dma_wait3A_29] : memref<16x158x128xi32, #tpu.memory_space<hbm>> -> memref<1x158x128xi32, #tpu.memory_space<hbm>>
      %dma_wait3A_31 = tpu.memref_squeeze %dma_wait3A_30 : memref<1x158x128xi32, #tpu.memory_space<hbm>> -> memref<158x128xi32, #tpu.memory_space<hbm>>
      %dma_wait3A_32 = arith.constant 0 : i32
      %dma_wait3A_33 = arith.constant 0 : i32
      %dma_wait3A_34 = tpu.memref_slice %arg4[%arg1, %dma_wait3A_32, %dma_wait3A_33] : memref<16x158x128xi32, #tpu.memory_space<hbm>> -> memref<1x158x128xi32, #tpu.memory_space<hbm>>
      %dma_wait3A_35 = tpu.memref_squeeze %dma_wait3A_34 : memref<1x158x128xi32, #tpu.memory_space<hbm>> -> memref<158x128xi32, #tpu.memory_space<hbm>>
      tpu.wait_dma2 semaphore(%run_scoped3A : memref<!tpu.dma_semaphore, #tpu.memory_space<semaphore_mem>>) src(%dma_wait3A_35 : memref<158x128xi32, #tpu.memory_space<hbm>>) dst(%arg8 : memref<158x128xi32, #tpu.memory_space<vmem>>)
      tpu.yield
    }) : () -> ()
    %barrier3A = arith.constant 0 : index
    tpu.barrier barrier_id(%barrier3A)
    %broadcast_in_dim3A = arith.constant 1.000000e+00 : f32
    %broadcast_in_dim3A_1 = vector.broadcast %broadcast_in_dim3A : f32 to vector<16xf32>
    %dma_start3A = arith.constant 0 : i32
    %dma_start3A_2 = arith.constant 0 : i32
    %dma_start3A_3 = tpu.memref_slice %arg7[%dma_start3A, %dma_start3A_2] : memref<158x128xi32, #tpu.memory_space<vmem>> -> memref<1x128xi32, #tpu.memory_space<vmem>>
    %dma_start3A_4 = tpu.memref_squeeze %dma_start3A_3 : memref<1x128xi32, #tpu.memory_space<vmem>> -> memref<128xi32, #tpu.memory_space<vmem>>
    %dma_start3A_5 = arith.constant 0 : i32
    %dma_start3A_6 = arith.constant 0 : i32
    %dma_start3A_7 = tpu.memref_slice %arg2[%dma_start3A_5, %dma_start3A_6] : memref<20000x32xf32, #tpu.memory_space<hbm>> -> memref<20000x32xf32, #tpu.memory_space<hbm>>
    tpu.enqueue_indirect_dma source(%dma_start3A_7 : memref<20000x32xf32, #tpu.memory_space<hbm>>) target(%arg9 : memref<128x32xf32, #tpu.memory_space<vmem>>) offsets(%dma_start3A_4 : memref<128xi32, #tpu.memory_space<vmem>>) semaphore(%arg12 : memref<!tpu.dma_semaphore, #tpu.memory_space<semaphore_mem>>)
    %dma_start3A_8 = arith.constant 1 : i32
    %dma_start3A_9 = arith.constant 0 : i32
    %dma_start3A_10 = tpu.memref_slice %arg7[%dma_start3A_8, %dma_start3A_9] : memref<158x128xi32, #tpu.memory_space<vmem>> -> memref<1x128xi32, #tpu.memory_space<vmem>>
    %dma_start3A_11 = tpu.memref_squeeze %dma_start3A_10 : memref<1x128xi32, #tpu.memory_space<vmem>> -> memref<128xi32, #tpu.memory_space<vmem>>
    %dma_start3A_12 = arith.constant 0 : i32
    %dma_start3A_13 = arith.constant 0 : i32
    %dma_start3A_14 = tpu.memref_slice %arg2[%dma_start3A_12, %dma_start3A_13] : memref<20000x32xf32, #tpu.memory_space<hbm>> -> memref<20000x32xf32, #tpu.memory_space<hbm>>
    tpu.enqueue_indirect_dma source(%dma_start3A_14 : memref<20000x32xf32, #tpu.memory_space<hbm>>) target(%arg10 : memref<128x32xf32, #tpu.memory_space<vmem>>) offsets(%dma_start3A_11 : memref<128xi32, #tpu.memory_space<vmem>>) semaphore(%arg13 : memref<!tpu.dma_semaphore, #tpu.memory_space<semaphore_mem>>)
    %scan3A = arith.constant 0 : i32
    %scan3A_15 = arith.constant 0 : i32
    %scan3A_16 = arith.constant 79 : i32
    %scan3A_17 = arith.addi %scan3A_15, %scan3A_16 : i32
    %scan3A_18 = arith.constant 1 : i32
    scf.for %scan3A_21 = %scan3A_15 to %scan3A_17 step %scan3A_18  : i32 {
      %mul3A_22 = arith.constant 2 : i32
      %mul3A_23 = arith.muli %scan3A_21, %mul3A_22 : i32
      %add3A = arith.constant 0 : i32
      %add3A_24 = arith.addi %mul3A_23, %add3A : i32
      %dma_wait3A = arith.constant 0 : i32
      %dma_wait3A_25 = tpu.memref_slice %arg7[%add3A_24, %dma_wait3A] : memref<158x128xi32, #tpu.memory_space<vmem>> -> memref<1x128xi32, #tpu.memory_space<vmem>>
      %dma_wait3A_26 = tpu.memref_squeeze %dma_wait3A_25 : memref<1x128xi32, #tpu.memory_space<vmem>> -> memref<128xi32, #tpu.memory_space<vmem>>
      %dma_wait3A_27 = arith.constant 0 : i32
      %dma_wait3A_28 = arith.constant 0 : i32
      %dma_wait3A_29 = tpu.memref_slice %arg2[%dma_wait3A_27, %dma_wait3A_28] : memref<20000x32xf32, #tpu.memory_space<hbm>> -> memref<20000x32xf32, #tpu.memory_space<hbm>>
      tpu.wait_indirect_dma semaphore(%arg12 : memref<!tpu.dma_semaphore, #tpu.memory_space<semaphore_mem>>) src(%dma_wait3A_29 : memref<20000x32xf32, #tpu.memory_space<hbm>>) dst(%arg9 : memref<128x32xf32, #tpu.memory_space<vmem>>)
      %dma_start3A_30 = arith.constant 0 : i32
      %dma_start3A_31 = tpu.memref_slice %arg8[%add3A_24, %dma_start3A_30] : memref<158x128xi32, #tpu.memory_space<vmem>> -> memref<1x128xi32, #tpu.memory_space<vmem>>
      %dma_start3A_32 = tpu.memref_squeeze %dma_start3A_31 : memref<1x128xi32, #tpu.memory_space<vmem>> -> memref<128xi32, #tpu.memory_space<vmem>>
      %dma_start3A_33 = arith.constant 0 : i32
      %dma_start3A_34 = arith.constant 0 : i32
      %dma_start3A_35 = tpu.memref_slice %arg11[%dma_start3A_33, %dma_start3A_34] : memref<10240x32xf32, #tpu.memory_space<vmem_shared>> -> memref<10240x32xf32, #tpu.memory_space<vmem_shared>>
      tpu.enqueue_indirect_dma source(%arg9 : memref<128x32xf32, #tpu.memory_space<vmem>>) target(%dma_start3A_35 : memref<10240x32xf32, #tpu.memory_space<vmem_shared>>) offsets(%dma_start3A_32 : memref<128xi32, #tpu.memory_space<vmem>>) semaphore(%arg14 : memref<!tpu.dma_semaphore, #tpu.memory_space<semaphore_mem>>) {add = true}
      %add3A_36 = arith.constant 1 : i32
      %add3A_37 = arith.addi %mul3A_23, %add3A_36 : i32
      %dma_wait3A_38 = arith.constant 0 : i32
      %dma_wait3A_39 = tpu.memref_slice %arg7[%add3A_37, %dma_wait3A_38] : memref<158x128xi32, #tpu.memory_space<vmem>> -> memref<1x128xi32, #tpu.memory_space<vmem>>
      %dma_wait3A_40 = tpu.memref_squeeze %dma_wait3A_39 : memref<1x128xi32, #tpu.memory_space<vmem>> -> memref<128xi32, #tpu.memory_space<vmem>>
      %dma_wait3A_41 = arith.constant 0 : i32
      %dma_wait3A_42 = arith.constant 0 : i32
      %dma_wait3A_43 = tpu.memref_slice %arg2[%dma_wait3A_41, %dma_wait3A_42] : memref<20000x32xf32, #tpu.memory_space<hbm>> -> memref<20000x32xf32, #tpu.memory_space<hbm>>
      tpu.wait_indirect_dma semaphore(%arg13 : memref<!tpu.dma_semaphore, #tpu.memory_space<semaphore_mem>>) src(%dma_wait3A_43 : memref<20000x32xf32, #tpu.memory_space<hbm>>) dst(%arg10 : memref<128x32xf32, #tpu.memory_space<vmem>>)
      %dma_start3A_44 = arith.constant 0 : i32
      %dma_start3A_45 = tpu.memref_slice %arg8[%add3A_37, %dma_start3A_44] : memref<158x128xi32, #tpu.memory_space<vmem>> -> memref<1x128xi32, #tpu.memory_space<vmem>>
      %dma_start3A_46 = tpu.memref_squeeze %dma_start3A_45 : memref<1x128xi32, #tpu.memory_space<vmem>> -> memref<128xi32, #tpu.memory_space<vmem>>
      %dma_start3A_47 = arith.constant 0 : i32
      %dma_start3A_48 = arith.constant 0 : i32
      %dma_start3A_49 = tpu.memref_slice %arg11[%dma_start3A_47, %dma_start3A_48] : memref<10240x32xf32, #tpu.memory_space<vmem_shared>> -> memref<10240x32xf32, #tpu.memory_space<vmem_shared>>
      tpu.enqueue_indirect_dma source(%arg10 : memref<128x32xf32, #tpu.memory_space<vmem>>) target(%dma_start3A_49 : memref<10240x32xf32, #tpu.memory_space<vmem_shared>>) offsets(%dma_start3A_46 : memref<128xi32, #tpu.memory_space<vmem>>) semaphore(%arg15 : memref<!tpu.dma_semaphore, #tpu.memory_space<semaphore_mem>>) {add = true}
      %dma_wait3A_50 = arith.constant 0 : i32
      %dma_wait3A_51 = tpu.memref_slice %arg8[%add3A_24, %dma_wait3A_50] : memref<158x128xi32, #tpu.memory_space<vmem>> -> memref<1x128xi32, #tpu.memory_space<vmem>>
      %dma_wait3A_52 = tpu.memref_squeeze %dma_wait3A_51 : memref<1x128xi32, #tpu.memory_space<vmem>> -> memref<128xi32, #tpu.memory_space<vmem>>
      %dma_wait3A_53 = arith.constant 0 : i32
      %dma_wait3A_54 = arith.constant 0 : i32
      %dma_wait3A_55 = tpu.memref_slice %arg11[%dma_wait3A_53, %dma_wait3A_54] : memref<10240x32xf32, #tpu.memory_space<vmem_shared>> -> memref<10240x32xf32, #tpu.memory_space<vmem_shared>>
      tpu.wait_indirect_dma semaphore(%arg14 : memref<!tpu.dma_semaphore, #tpu.memory_space<semaphore_mem>>) src(%arg9 : memref<128x32xf32, #tpu.memory_space<vmem>>) dst(%dma_wait3A_55 : memref<10240x32xf32, #tpu.memory_space<vmem_shared>>)
      %add3A_56 = arith.constant 0 : i32
      %add3A_57 = arith.addi %mul3A_23, %add3A_56 : i32
      %add3A_58 = arith.constant 2 : i32
      %add3A_59 = arith.addi %add3A_57, %add3A_58 : i32
      %lt3A = arith.constant 158 : i32
      %lt3A_60 = arith.cmpi slt, %add3A_59, %lt3A : i32
      %convert_element_type3A = arith.extui %lt3A_60 : i1 to i32
      %cond3A = arith.constant 0 : i32
      %cond3A_61 = arith.cmpi ne, %convert_element_type3A, %cond3A : i32
      scf.if %cond3A_61 {
        %add3A_77 = arith.constant 0 : i32
        %add3A_78 = arith.addi %mul3A_23, %add3A_77 : i32
        %add3A_79 = arith.constant 2 : i32
        %add3A_80 = arith.addi %add3A_78, %add3A_79 : i32
        %dma_start3A_81 = arith.constant 0 : i32
        %dma_start3A_82 = tpu.memref_slice %arg7[%add3A_80, %dma_start3A_81] : memref<158x128xi32, #tpu.memory_space<vmem>> -> memref<1x128xi32, #tpu.memory_space<vmem>>
        %dma_start3A_83 = tpu.memref_squeeze %dma_start3A_82 : memref<1x128xi32, #tpu.memory_space<vmem>> -> memref<128xi32, #tpu.memory_space<vmem>>
        %dma_start3A_84 = arith.constant 0 : i32
        %dma_start3A_85 = arith.constant 0 : i32
        %dma_start3A_86 = tpu.memref_slice %arg2[%dma_start3A_84, %dma_start3A_85] : memref<20000x32xf32, #tpu.memory_space<hbm>> -> memref<20000x32xf32, #tpu.memory_space<hbm>>
        tpu.enqueue_indirect_dma source(%dma_start3A_86 : memref<20000x32xf32, #tpu.memory_space<hbm>>) target(%arg9 : memref<128x32xf32, #tpu.memory_space<vmem>>) offsets(%dma_start3A_83 : memref<128xi32, #tpu.memory_space<vmem>>) semaphore(%arg12 : memref<!tpu.dma_semaphore, #tpu.memory_space<semaphore_mem>>)
      } else {
      }
      %dma_wait3A_62 = arith.constant 0 : i32
      %dma_wait3A_63 = tpu.memref_slice %arg8[%add3A_37, %dma_wait3A_62] : memref<158x128xi32, #tpu.memory_space<vmem>> -> memref<1x128xi32, #tpu.memory_space<vmem>>
      %dma_wait3A_64 = tpu.memref_squeeze %dma_wait3A_63 : memref<1x128xi32, #tpu.memory_space<vmem>> -> memref<128xi32, #tpu.memory_space<vmem>>
      %dma_wait3A_65 = arith.constant 0 : i32
      %dma_wait3A_66 = arith.constant 0 : i32
      %dma_wait3A_67 = tpu.memref_slice %arg11[%dma_wait3A_65, %dma_wait3A_66] : memref<10240x32xf32, #tpu.memory_space<vmem_shared>> -> memref<10240x32xf32, #tpu.memory_space<vmem_shared>>
      tpu.wait_indirect_dma semaphore(%arg15 : memref<!tpu.dma_semaphore, #tpu.memory_space<semaphore_mem>>) src(%arg10 : memref<128x32xf32, #tpu.memory_space<vmem>>) dst(%dma_wait3A_67 : memref<10240x32xf32, #tpu.memory_space<vmem_shared>>)
      %add3A_68 = arith.constant 1 : i32
      %add3A_69 = arith.addi %mul3A_23, %add3A_68 : i32
      %add3A_70 = arith.constant 2 : i32
      %add3A_71 = arith.addi %add3A_69, %add3A_70 : i32
      %lt3A_72 = arith.constant 158 : i32
      %lt3A_73 = arith.cmpi slt, %add3A_71, %lt3A_72 : i32
      %convert_element_type3A_74 = arith.extui %lt3A_73 : i1 to i32
      %cond3A_75 = arith.constant 0 : i32
      %cond3A_76 = arith.cmpi ne, %convert_element_type3A_74, %cond3A_75 : i32
      scf.if %cond3A_76 {
        %add3A_77 = arith.constant 1 : i32
        %add3A_78 = arith.addi %mul3A_23, %add3A_77 : i32
        %add3A_79 = arith.constant 2 : i32
        %add3A_80 = arith.addi %add3A_78, %add3A_79 : i32
        %dma_start3A_81 = arith.constant 0 : i32
        %dma_start3A_82 = tpu.memref_slice %arg7[%add3A_80, %dma_start3A_81] : memref<158x128xi32, #tpu.memory_space<vmem>> -> memref<1x128xi32, #tpu.memory_space<vmem>>
        %dma_start3A_83 = tpu.memref_squeeze %dma_start3A_82 : memref<1x128xi32, #tpu.memory_space<vmem>> -> memref<128xi32, #tpu.memory_space<vmem>>
        %dma_start3A_84 = arith.constant 0 : i32
        %dma_start3A_85 = arith.constant 0 : i32
        %dma_start3A_86 = tpu.memref_slice %arg2[%dma_start3A_84, %dma_start3A_85] : memref<20000x32xf32, #tpu.memory_space<hbm>> -> memref<20000x32xf32, #tpu.memory_space<hbm>>
        tpu.enqueue_indirect_dma source(%dma_start3A_86 : memref<20000x32xf32, #tpu.memory_space<hbm>>) target(%arg10 : memref<128x32xf32, #tpu.memory_space<vmem>>) offsets(%dma_start3A_83 : memref<128xi32, #tpu.memory_space<vmem>>) semaphore(%arg13 : memref<!tpu.dma_semaphore, #tpu.memory_space<semaphore_mem>>)
      } else {
      }
    }
    %scan3A_19 = arith.constant 79 : i32
    %barrier3A_20 = arith.constant 0 : index
    tpu.barrier barrier_id(%barrier3A_20)
    "tpu.region"() ({
      %run_scoped3A = tpu.sem_alloc : memref<!tpu.dma_semaphore, #tpu.memory_space<semaphore_mem>>
      %dma_start3A_21 = arith.constant 0 : i32
      %dma_start3A_22 = arith.constant 0 : i32
      %dma_start3A_23 = tpu.memref_slice %arg6[%arg0, %dma_start3A_21, %dma_start3A_22] : memref<2x10240x32xf32, #tpu.memory_space<hbm>> -> memref<1x10240x32xf32, #tpu.memory_space<hbm>>
      %dma_start3A_24 = tpu.memref_squeeze %dma_start3A_23 : memref<1x10240x32xf32, #tpu.memory_space<hbm>> -> memref<10240x32xf32, #tpu.memory_space<hbm>>
      %dma_start3A_25 = arith.constant 0 : i32
      %dma_start3A_26 = tpu.memref_slice %dma_start3A_24[%mul3A_0, %dma_start3A_25] : memref<10240x32xf32, #tpu.memory_space<hbm>> -> memref<640x32xf32, #tpu.memory_space<hbm>>
      %dma_start3A_27 = arith.constant 0 : i32
      %dma_start3A_28 = tpu.memref_slice %arg11[%mul3A_0, %dma_start3A_27] : memref<10240x32xf32, #tpu.memory_space<vmem_shared>> -> memref<640x32xf32, #tpu.memory_space<vmem_shared>>
      tpu.enqueue_dma source(%dma_start3A_28 : memref<640x32xf32, #tpu.memory_space<vmem_shared>>) target(%dma_start3A_26 : memref<640x32xf32, #tpu.memory_space<hbm>>) target_semaphore(%run_scoped3A : memref<!tpu.dma_semaphore, #tpu.memory_space<semaphore_mem>>)
      %dma_wait3A = arith.constant 0 : i32
      %dma_wait3A_29 = arith.constant 0 : i32
      %dma_wait3A_30 = tpu.memref_slice %arg6[%arg0, %dma_wait3A, %dma_wait3A_29] : memref<2x10240x32xf32, #tpu.memory_space<hbm>> -> memref<1x10240x32xf32, #tpu.memory_space<hbm>>
      %dma_wait3A_31 = tpu.memref_squeeze %dma_wait3A_30 : memref<1x10240x32xf32, #tpu.memory_space<hbm>> -> memref<10240x32xf32, #tpu.memory_space<hbm>>
      %dma_wait3A_32 = arith.constant 0 : i32
      %dma_wait3A_33 = tpu.memref_slice %dma_wait3A_31[%mul3A_0, %dma_wait3A_32] : memref<10240x32xf32, #tpu.memory_space<hbm>> -> memref<640x32xf32, #tpu.memory_space<hbm>>
      %dma_wait3A_34 = arith.constant 0 : i32
      %dma_wait3A_35 = tpu.memref_slice %arg11[%mul3A_0, %dma_wait3A_34] : memref<10240x32xf32, #tpu.memory_space<vmem_shared>> -> memref<640x32xf32, #tpu.memory_space<vmem_shared>>
      tpu.wait_dma2 semaphore(%run_scoped3A : memref<!tpu.dma_semaphore, #tpu.memory_space<semaphore_mem>>) src(%dma_wait3A_35 : memref<640x32xf32, #tpu.memory_space<vmem_shared>>) dst(%dma_wait3A_33 : memref<640x32xf32, #tpu.memory_space<hbm>>)
      tpu.yield
    }) : () -> ()
    return
  }
}

module attributes {stable_mosaic.version = 14 : i64} {
  func.func @_dense1_body(%arg0: i32, %arg1: memref<1000x128xf32, #tpu.memory_space<vmem>>, %arg2: memref<2x1000x64xf32, #tpu.memory_space<vmem>>, %arg3: memref<1000x16xf32, #tpu.memory_space<vmem>>, %arg4: memref<128x128xf32, #tpu.memory_space<vmem>>, %arg5: memref<128x128xf32, #tpu.memory_space<vmem>>, %arg6: memref<1x128xf32, #tpu.memory_space<vmem>>, %arg7: memref<128x64xf32, #tpu.memory_space<vmem>>, %arg8: memref<128x64xf32, #tpu.memory_space<vmem>>, %arg9: memref<1x64xf32, #tpu.memory_space<vmem>>, %arg10: memref<2x1000x32xf32, #tpu.memory_space<vmem>>, %arg11: memref<1000x64xf32, #tpu.memory_space<vmem>>) attributes {dimension_semantics = [#tpu.dimension_semantics<arbitrary>], iteration_bounds = array<i64: 10>, scalar_prefetch = 0 : i64, scratch_operands = 0 : i64, tpu.core_type = #tpu.core_type<tc>, window_params = [{transform_indices = @transform_0, window_bounds = array<i64: 1000, 128>}, {transform_indices = @transform_1, window_bounds = array<i64: 2, 1000, 64>}, {transform_indices = @transform_2, window_bounds = array<i64: 1000, 16>}, {pipeline_mode = #tpu.pipeline_mode<synchronous>, transform_indices = @transform_3, window_bounds = array<i64: 128, 128>}, {pipeline_mode = #tpu.pipeline_mode<synchronous>, transform_indices = @transform_4, window_bounds = array<i64: 128, 128>}, {pipeline_mode = #tpu.pipeline_mode<synchronous>, transform_indices = @transform_5, window_bounds = array<i64: 1, 128>}, {pipeline_mode = #tpu.pipeline_mode<synchronous>, transform_indices = @transform_6, window_bounds = array<i64: 128, 64>}, {pipeline_mode = #tpu.pipeline_mode<synchronous>, transform_indices = @transform_7, window_bounds = array<i64: 128, 64>}, {pipeline_mode = #tpu.pipeline_mode<synchronous>, transform_indices = @transform_8, window_bounds = array<i64: 1, 64>}, {transform_indices = @transform_9, window_bounds = array<i64: 2, 1000, 32>}, {transform_indices = @transform_10, window_bounds = array<i64: 1000, 64>}]} {
    %get3A = arith.constant 0 : index
    %get3A_0 = arith.constant 0 : index
    %get3A_1 = vector.load %arg3[%get3A, %get3A_0] : memref<1000x16xf32, #tpu.memory_space<vmem>>, vector<1000x16xf32>
    %reduce_sum3A = arith.constant dense<0.000000e+00> : vector<1000xf32>
    %reduce_sum3A_2 = vector.multi_reduction <add>, %get3A_1, %reduce_sum3A [1] : vector<1000x16xf32> to vector<1000xf32>
    %max3A = arith.constant 1.000000e+00 : f32
    %max3A_3 = vector.broadcast %max3A : f32 to vector<1000xf32>
    %max3A_4 = arith.maximumf %reduce_sum3A_2, %max3A_3 : vector<1000xf32>
    %div3A = arith.constant 1.000000e+00 : f32
    %div3A_5 = vector.broadcast %div3A : f32 to vector<1000xf32>
    %div3A_6 = arith.divf %div3A_5, %max3A_4 : vector<1000xf32>
    %get3A_7 = arith.constant 0 : index
    %get3A_8 = arith.constant 0 : index
    %get3A_9 = arith.constant 0 : index
    %get3A_10 = vector.load %arg2[%get3A_7, %get3A_8, %get3A_9] : memref<2x1000x64xf32, #tpu.memory_space<vmem>>, vector<1x1000x64xf32>
    %get3A_11 = vector.shape_cast %get3A_10 : vector<1x1000x64xf32> to vector<1000x64xf32>
    %get3A_12 = arith.constant 1 : index
    %get3A_13 = arith.constant 0 : index
    %get3A_14 = arith.constant 0 : index
    %get3A_15 = vector.load %arg2[%get3A_12, %get3A_13, %get3A_14] : memref<2x1000x64xf32, #tpu.memory_space<vmem>>, vector<1x1000x64xf32>
    %get3A_16 = vector.shape_cast %get3A_15 : vector<1x1000x64xf32> to vector<1000x64xf32>
    %concatenate3A = tpu.concatenate %get3A_11, %get3A_16 in 1 : vector<1000x64xf32>, vector<1000x64xf32> -> vector<1000x128xf32>
    %broadcast_in_dim3A = vector.shape_cast %div3A_6 : vector<1000xf32> to vector<1000x1xf32>
    %mul3A = vector.broadcast %broadcast_in_dim3A : vector<1000x1xf32> to vector<1000x128xf32>
    %mul3A_17 = arith.mulf %concatenate3A, %mul3A : vector<1000x128xf32>
    %get3A_18 = arith.constant 0 : index
    %get3A_19 = arith.constant 0 : index
    %get3A_20 = vector.load %arg1[%get3A_18, %get3A_19] : memref<1000x128xf32, #tpu.memory_space<vmem>>, vector<1000x128xf32>
    %get3A_21 = arith.constant 0 : index
    %get3A_22 = arith.constant 0 : index
    %get3A_23 = vector.load %arg4[%get3A_21, %get3A_22] : memref<128x128xf32, #tpu.memory_space<vmem>>, vector<128x128xf32>
    %dot_general3A = arith.constant dense<0.000000e+00> : vector<1000x128xf32>
    %dot_general3A_24 = tpu.matmul %get3A_20, %get3A_23, %dot_general3A {dimension_numbers = #tpu.dot_dimension_numbers<[1], [0], [0], [1], [0, 0, 1, 1], [], []>, transpose_lhs_hint = false} : vector<1000x128xf32>, vector<128x128xf32>, vector<1000x128xf32> -> vector<1000x128xf32>
    %get3A_25 = arith.constant 0 : index
    %get3A_26 = arith.constant 0 : index
    %get3A_27 = vector.load %arg5[%get3A_25, %get3A_26] : memref<128x128xf32, #tpu.memory_space<vmem>>, vector<128x128xf32>
    %dot_general3A_28 = arith.constant dense<0.000000e+00> : vector<1000x128xf32>
    %dot_general3A_29 = tpu.matmul %mul3A_17, %get3A_27, %dot_general3A_28 {dimension_numbers = #tpu.dot_dimension_numbers<[1], [0], [0], [1], [0, 0, 1, 1], [], []>, transpose_lhs_hint = false} : vector<1000x128xf32>, vector<128x128xf32>, vector<1000x128xf32> -> vector<1000x128xf32>
    %add3A = arith.addf %dot_general3A_24, %dot_general3A_29 : vector<1000x128xf32>
    %get3A_30 = arith.constant 0 : index
    %get3A_31 = arith.constant 0 : index
    %get3A_32 = vector.load %arg6[%get3A_30, %get3A_31] : memref<1x128xf32, #tpu.memory_space<vmem>>, vector<1x128xf32>
    %add3A_33 = vector.broadcast %get3A_32 : vector<1x128xf32> to vector<1000x128xf32>
    %add3A_34 = arith.addf %add3A, %add3A_33 : vector<1000x128xf32>
    %max3A_35 = arith.constant 0.000000e+00 : f32
    %max3A_36 = vector.broadcast %max3A_35 : f32 to vector<1000x128xf32>
    %max3A_37 = arith.maximumf %add3A_34, %max3A_36 : vector<1000x128xf32>
    %get3A_38 = arith.constant 0 : index
    %get3A_39 = arith.constant 0 : index
    %get3A_40 = vector.load %arg8[%get3A_38, %get3A_39] : memref<128x64xf32, #tpu.memory_space<vmem>>, vector<128x64xf32>
    %dot_general3A_41 = arith.constant dense<0.000000e+00> : vector<1000x64xf32>
    %dot_general3A_42 = tpu.matmul %max3A_37, %get3A_40, %dot_general3A_41 {dimension_numbers = #tpu.dot_dimension_numbers<[1], [0], [0], [1], [0, 0, 1, 1], [], []>, transpose_lhs_hint = false} : vector<1000x128xf32>, vector<128x64xf32>, vector<1000x64xf32> -> vector<1000x64xf32>
    %slice3A = vector.extract_strided_slice %dot_general3A_42 {offsets = [0, 0], sizes = [1000, 32], strides = [1, 1]} : vector<1000x64xf32> to vector<1000x32xf32>
    %swap3A = arith.constant 0 : index
    %swap3A_43 = arith.constant 0 : index
    %swap3A_44 = arith.constant 0 : index
    %swap3A_45 = vector.load %arg10[%swap3A, %swap3A_43, %swap3A_44] : memref<2x1000x32xf32, #tpu.memory_space<vmem>>, vector<1x1000x32xf32>
    %swap3A_46 = vector.shape_cast %swap3A_45 : vector<1x1000x32xf32> to vector<1000x32xf32>
    %swap3A_47 = vector.shape_cast %slice3A : vector<1000x32xf32> to vector<1x1000x32xf32>
    tpu.vector_store %arg10[%swap3A, %swap3A_43, %swap3A_44], %swap3A_47 {strides = array<i32>} : memref<2x1000x32xf32, #tpu.memory_space<vmem>>, vector<1x1000x32xf32>,
    %slice3A_48 = vector.extract_strided_slice %dot_general3A_42 {offsets = [0, 32], sizes = [1000, 32], strides = [1, 1]} : vector<1000x64xf32> to vector<1000x32xf32>
    %swap3A_49 = arith.constant 1 : index
    %swap3A_50 = arith.constant 0 : index
    %swap3A_51 = arith.constant 0 : index
    %swap3A_52 = vector.load %arg10[%swap3A_49, %swap3A_50, %swap3A_51] : memref<2x1000x32xf32, #tpu.memory_space<vmem>>, vector<1x1000x32xf32>
    %swap3A_53 = vector.shape_cast %swap3A_52 : vector<1x1000x32xf32> to vector<1000x32xf32>
    %swap3A_54 = vector.shape_cast %slice3A_48 : vector<1000x32xf32> to vector<1x1000x32xf32>
    tpu.vector_store %arg10[%swap3A_49, %swap3A_50, %swap3A_51], %swap3A_54 {strides = array<i32>} : memref<2x1000x32xf32, #tpu.memory_space<vmem>>, vector<1x1000x32xf32>,
    %get3A_55 = arith.constant 0 : index
    %get3A_56 = arith.constant 0 : index
    %get3A_57 = vector.load %arg7[%get3A_55, %get3A_56] : memref<128x64xf32, #tpu.memory_space<vmem>>, vector<128x64xf32>
    %dot_general3A_58 = arith.constant dense<0.000000e+00> : vector<1000x64xf32>
    %dot_general3A_59 = tpu.matmul %max3A_37, %get3A_57, %dot_general3A_58 {dimension_numbers = #tpu.dot_dimension_numbers<[1], [0], [0], [1], [0, 0, 1, 1], [], []>, transpose_lhs_hint = false} : vector<1000x128xf32>, vector<128x64xf32>, vector<1000x64xf32> -> vector<1000x64xf32>
    %get3A_60 = arith.constant 0 : index
    %get3A_61 = arith.constant 0 : index
    %get3A_62 = vector.load %arg9[%get3A_60, %get3A_61] : memref<1x64xf32, #tpu.memory_space<vmem>>, vector<1x64xf32>
    %add3A_63 = vector.broadcast %get3A_62 : vector<1x64xf32> to vector<1000x64xf32>
    %add3A_64 = arith.addf %dot_general3A_59, %add3A_63 : vector<1000x64xf32>
    %swap3A_65 = arith.constant 0 : index
    %swap3A_66 = arith.constant 0 : index
    %swap3A_67 = vector.load %arg11[%swap3A_65, %swap3A_66] : memref<1000x64xf32, #tpu.memory_space<vmem>>, vector<1000x64xf32>
    tpu.vector_store %arg11[%swap3A_65, %swap3A_66], %add3A_64 {strides = array<i32>} : memref<1000x64xf32, #tpu.memory_space<vmem>>, vector<1000x64xf32>,
    return
  }
  func.func @transform_0(%arg0: i32) -> (i32, i32) {
    %c0_i32 = arith.constant 0 : i32
    %c0_i32_0 = arith.constant 0 : i32
    return %arg0, %c0_i32 : i32, i32
  }
  func.func @transform_1(%arg0: i32) -> (i32, i32, i32) {
    %c0_i32 = arith.constant 0 : i32
    %c0_i32_0 = arith.constant 0 : i32
    %c0_i32_1 = arith.constant 0 : i32
    return %c0_i32, %arg0, %c0_i32_0 : i32, i32, i32
  }
  func.func @transform_2(%arg0: i32) -> (i32, i32) {
    %c0_i32 = arith.constant 0 : i32
    %c0_i32_0 = arith.constant 0 : i32
    return %arg0, %c0_i32 : i32, i32
  }
  func.func @transform_3(%arg0: i32) -> (i32, i32) {
    %c0_i32 = arith.constant 0 : i32
    %c0_i32_0 = arith.constant 0 : i32
    %c0_i32_1 = arith.constant 0 : i32
    return %c0_i32, %c0_i32_0 : i32, i32
  }
  func.func @transform_4(%arg0: i32) -> (i32, i32) {
    %c0_i32 = arith.constant 0 : i32
    %c0_i32_0 = arith.constant 0 : i32
    %c0_i32_1 = arith.constant 0 : i32
    return %c0_i32, %c0_i32_0 : i32, i32
  }
  func.func @transform_5(%arg0: i32) -> (i32, i32) {
    %c0_i32 = arith.constant 0 : i32
    %c0_i32_0 = arith.constant 0 : i32
    %c0_i32_1 = arith.constant 0 : i32
    return %c0_i32, %c0_i32_0 : i32, i32
  }
  func.func @transform_6(%arg0: i32) -> (i32, i32) {
    %c0_i32 = arith.constant 0 : i32
    %c0_i32_0 = arith.constant 0 : i32
    %c0_i32_1 = arith.constant 0 : i32
    return %c0_i32, %c0_i32_0 : i32, i32
  }
  func.func @transform_7(%arg0: i32) -> (i32, i32) {
    %c0_i32 = arith.constant 0 : i32
    %c0_i32_0 = arith.constant 0 : i32
    %c0_i32_1 = arith.constant 0 : i32
    return %c0_i32, %c0_i32_0 : i32, i32
  }
  func.func @transform_8(%arg0: i32) -> (i32, i32) {
    %c0_i32 = arith.constant 0 : i32
    %c0_i32_0 = arith.constant 0 : i32
    %c0_i32_1 = arith.constant 0 : i32
    return %c0_i32, %c0_i32_0 : i32, i32
  }
  func.func @transform_9(%arg0: i32) -> (i32, i32, i32) {
    %c0_i32 = arith.constant 0 : i32
    %c0_i32_0 = arith.constant 0 : i32
    %c0_i32_1 = arith.constant 0 : i32
    return %c0_i32, %arg0, %c0_i32_0 : i32, i32, i32
  }
  func.func @transform_10(%arg0: i32) -> (i32, i32) {
    %c0_i32 = arith.constant 0 : i32
    %c0_i32_0 = arith.constant 0 : i32
    return %arg0, %c0_i32 : i32, i32
  }
}

module attributes {stable_mosaic.version = 14 : i64} {
  func.func @_dense2_body(%arg0: i32, %arg1: memref<1000x64xf32, #tpu.memory_space<vmem>>, %arg2: memref<2x1000x32xf32, #tpu.memory_space<vmem>>, %arg3: memref<1000x16xf32, #tpu.memory_space<vmem>>, %arg4: memref<1000x64xf32, #tpu.memory_space<vmem>>) attributes {dimension_semantics = [#tpu.dimension_semantics<arbitrary>], iteration_bounds = array<i64: 10>, scalar_prefetch = 0 : i64, scratch_operands = 0 : i64, tpu.core_type = #tpu.core_type<tc>, window_params = [{transform_indices = @transform_0, window_bounds = array<i64: 1000, 64>}, {transform_indices = @transform_1, window_bounds = array<i64: 2, 1000, 32>}, {transform_indices = @transform_2, window_bounds = array<i64: 1000, 16>}, {transform_indices = @transform_3, window_bounds = array<i64: 1000, 64>}]} {
    %get3A = arith.constant 0 : index
    %get3A_0 = arith.constant 0 : index
    %get3A_1 = vector.load %arg3[%get3A, %get3A_0] : memref<1000x16xf32, #tpu.memory_space<vmem>>, vector<1000x16xf32>
    %reduce_sum3A = arith.constant dense<0.000000e+00> : vector<1000xf32>
    %reduce_sum3A_2 = vector.multi_reduction <add>, %get3A_1, %reduce_sum3A [1] : vector<1000x16xf32> to vector<1000xf32>
    %max3A = arith.constant 1.000000e+00 : f32
    %max3A_3 = vector.broadcast %max3A : f32 to vector<1000xf32>
    %max3A_4 = arith.maximumf %reduce_sum3A_2, %max3A_3 : vector<1000xf32>
    %div3A = arith.constant 1.000000e+00 : f32
    %div3A_5 = vector.broadcast %div3A : f32 to vector<1000xf32>
    %div3A_6 = arith.divf %div3A_5, %max3A_4 : vector<1000xf32>
    %get3A_7 = arith.constant 0 : index
    %get3A_8 = arith.constant 0 : index
    %get3A_9 = arith.constant 0 : index
    %get3A_10 = vector.load %arg2[%get3A_7, %get3A_8, %get3A_9] : memref<2x1000x32xf32, #tpu.memory_space<vmem>>, vector<1x1000x32xf32>
    %get3A_11 = vector.shape_cast %get3A_10 : vector<1x1000x32xf32> to vector<1000x32xf32>
    %get3A_12 = arith.constant 1 : index
    %get3A_13 = arith.constant 0 : index
    %get3A_14 = arith.constant 0 : index
    %get3A_15 = vector.load %arg2[%get3A_12, %get3A_13, %get3A_14] : memref<2x1000x32xf32, #tpu.memory_space<vmem>>, vector<1x1000x32xf32>
    %get3A_16 = vector.shape_cast %get3A_15 : vector<1x1000x32xf32> to vector<1000x32xf32>
    %concatenate3A = tpu.concatenate %get3A_11, %get3A_16 in 1 : vector<1000x32xf32>, vector<1000x32xf32> -> vector<1000x64xf32>
    %get3A_17 = arith.constant 0 : index
    %get3A_18 = arith.constant 0 : index
    %get3A_19 = vector.load %arg1[%get3A_17, %get3A_18] : memref<1000x64xf32, #tpu.memory_space<vmem>>, vector<1000x64xf32>
    %broadcast_in_dim3A = vector.shape_cast %div3A_6 : vector<1000xf32> to vector<1000x1xf32>
    %mul3A = vector.broadcast %broadcast_in_dim3A : vector<1000x1xf32> to vector<1000x64xf32>
    %mul3A_20 = arith.mulf %concatenate3A, %mul3A : vector<1000x64xf32>
    %add3A = arith.addf %get3A_19, %mul3A_20 : vector<1000x64xf32>
    %swap3A = arith.constant 0 : index
    %swap3A_21 = arith.constant 0 : index
    %swap3A_22 = vector.load %arg4[%swap3A, %swap3A_21] : memref<1000x64xf32, #tpu.memory_space<vmem>>, vector<1000x64xf32>
    tpu.vector_store %arg4[%swap3A, %swap3A_21], %add3A {strides = array<i32>} : memref<1000x64xf32, #tpu.memory_space<vmem>>, vector<1000x64xf32>,
    return
  }
  func.func @transform_0(%arg0: i32) -> (i32, i32) {
    %c0_i32 = arith.constant 0 : i32
    %c0_i32_0 = arith.constant 0 : i32
    return %arg0, %c0_i32 : i32, i32
  }
  func.func @transform_1(%arg0: i32) -> (i32, i32, i32) {
    %c0_i32 = arith.constant 0 : i32
    %c0_i32_0 = arith.constant 0 : i32
    %c0_i32_1 = arith.constant 0 : i32
    return %c0_i32, %arg0, %c0_i32_0 : i32, i32, i32
  }
  func.func @transform_2(%arg0: i32) -> (i32, i32) {
    %c0_i32 = arith.constant 0 : i32
    %c0_i32_0 = arith.constant 0 : i32
    return %arg0, %c0_i32 : i32, i32
  }
  func.func @transform_3(%arg0: i32) -> (i32, i32) {
    %c0_i32 = arith.constant 0 : i32
    %c0_i32_0 = arith.constant 0 : i32
    return %arg0, %c0_i32 : i32, i32
  }
}

</mosaic_0001>

<sc_bundles>
// kernel: kernel.6.cloned.1.call-start
scs
__scs_entry_jumppad:
0x0: {  	(pc) =	sbr.rel $0x88, $3  }
0x1: {  	(tag) =	ssettag $0x0;
	lr =	simm.s32 $0x1  }
0x2: {  	[smem:$0x3F99] =	sst lr;
	_ =	strace $0xD0000000  }
0x3: {  	_ = 	snop  }
0x4: {  	_ = 	snop  }
0x5: {  	_ = 	snop  }
0x6: {  	_ = 	snop  }
0x7: {  	_ = 	snop  }
__scs_overlays_trampoline_lowered:
0x8: {  	[smem:$0x3FA8] =	sst s0  }
0x9: {  	[smem:$0x3FA9] =	sst s1  }
0xa: {  	[smem:$0x3FAA] =	sst s2  }
0xb: {  	[smem:$0x3FAB] =	sst s3  }
0xc: {  	[smem:$0x3FAC] =	sst s4  }
0xd: {  	[smem:$0x3FAD] =	sst s5  }
0xe: {  	[smem:$0x3FAE] =	sst s6  }
0xf: {  	[smem:$0x3FAF] =	sst s7  }
0x10: {  	[smem:$0x3FB0] =	sst s8  }
0x11: {  	[smem:$0x3FB1] =	sst s9;
	s0 =	simm.s32 @!p0 $0x0  }
0x12: {  	s1 =	sld [smem:$0x3F97];
	s0 =	simm.s32 @p0 $0x1  }
0x13: {  	[smem:$0x3FB2] =	sst s0;
	s0 =	simm.s32 @!p1 $0x0  }
0x14: {  	s2 =	sld [smem:$0x3F96];
	s0 =	simm.s32 @p1 $0x1  }
0x15: {  	[smem:$0x3FB3] =	sst s0;
	s0 =	simm.s32 @!p2 $0x0  }
0x16: {  	s3 =	sld [smem:$0x3FDB];
	s0 =	simm.s32 @p2 $0x1  }
0x17: {  	s4 =	simm.s32 $0x1BF5;
	[smem:$0x3FB5] =	sst s0  }
0x18: {  	s0 =	sld [smem:$0x3F98];
	_ =	swait.ge [sflag:s4], $0x0  }
0x19: {  	s7 =	sld [smem:$0x3F99]  }
0x1a: {  	s8 =	sadd.s32 $0xFFFFE003, lr  }
0x1b: {  	s9 =	sadd.s32 $0xFFFFFEF7, lr;
	s5 =	simm.s32 $0xFFFFFFFF;
	p2 =	slt.u32 s8, $0xFFFFF086  }
0x1c: {  	p1 =	slt.u32 s9, $0xF7A;
	s5 =	simm.s32 @!p2 $0x0  }
0x1d: {  	s5 =	simm.s32 @p1 $0x1;
	p0 =	seq.s32 s7, s2  }
0x1e: {  	s7 =	smul.u32 @!p0 $0xF7A, s2;
	p2 =	seq.s32 @!p0 s5, $0x0  }
0x1f: {  	s9 =	smul.u32 $0xF7A, s1;
	s8 =	simm.s32 @!p0 $0x1BF5;
	p2 =	por !p2, p0  }
0x20: {  	[sflag:s8] =	ssyncset.s32 @!p0 $0xFFFFF086;
	s6 =	sadd.s32 @!p0 s3, s7;
	s7 =	simm.s32 @!p0 $0x108  }
0x21: {  	s3 =	sadd.s32 s3, s9;
	s6 =	sadd.s32 @!p0 $0x88, s6;
	s7 =	simm.s32 @p2 $0x1082  }
0x22: {  	[simem:s7], [sflag:s8] =	dma.local @!p0 [hbm:s6], $0xF7A  }
0x23: {  	s9 =	sor.u32 $0xD0000000, s2;
	s6 =	simm.s32 $0x108;
	_ =	swait.ge @!p0 [sflag:s8], $0x0  }
0x24: {  	s3 =	sadd.s32 $0x88, s3;
	s6 =	simm.s32 @!p1 $0x1082;
	[sflag:s4] =	ssyncset.s32 $0xFFFFF086  }
0x25: {  	[simem:s6], [sflag:s4] =	dma.local [hbm:s3], $0xF7A  }
0x26: {  	[smem:$0x3F99] =	sst s1;
	(tag) =	ssettag s2;
	_ =	strace s9  }
0x27: {  	s1 =	sld [smem:$0x3FA9]  }
0x28: {  	s2 =	sld [smem:$0x3FAA]  }
0x29: {  	s4 =	sld [smem:$0x3FAC]  }
0x2a: {  	p0 =	seq.s32 s5, $0x0;
	s5 =	sld [smem:$0x3FAD]  }
0x2b: {  	s6 =	sld [smem:$0x3FAE]  }
0x2c: {  	s7 =	sld [smem:$0x3FAF]  }
0x2d: {  	s3 =	simm.s32 $0x108;
	s8 =	sld [smem:$0x3FB0]  }
0x2e: {  	s3 =	simm.s32 @!p0 $0x1082;
	s9 =	sld [smem:$0x3FB1]  }
0x2f: {  	lr =	sadd.s32 s0, s3;
	s0 =	sld [smem:$0x3FA8]  }
0x30: {  	s3 =	sld [smem:$0x3FAB]  }
0x31: {  	[smem:$0x3FB4] =	sst s10  }
0x32: {  	s10 =	sld [smem:$0x3FB2];
	_ =	sdelay $0x3  }
0x33: {  	p0 =	seq.s32 s10, $0x1;
	s10 =	sld [smem:$0x3FB4];
	_ =	sdelay $0x3  }
0x34: {  	[smem:$0x3FB4] =	sst s10  }
0x35: {  	s10 =	sld [smem:$0x3FB3];
	_ =	sdelay $0x3  }
0x36: {  	p1 =	seq.s32 s10, $0x1;
	s10 =	sld [smem:$0x3FB4];
	_ =	sdelay $0x3  }
0x37: {  	[smem:$0x3FB4] =	sst s10  }
0x38: {  	s10 =	sld [smem:$0x3FB5]  }
0x39: {  	_ = 	snop;
	(pc) =	sbr.ind lr, $3  }
0x3a: {  	_ = 	snop  }
0x3b: {  	_ = 	snop  }
0x3c: {  	p2 =	seq.s32 s10, $0x1;
	s10 =	sld [smem:$0x3FB4]  }
0x3d: {  	_ =	shalt  }
0x3e: {  	_ =	shalt  }
0x3f: {  	_ =	shalt  }
0x40: {  	_ =	shalt  }
0x41: {  	_ =	shalt  }
0x42: {  	_ =	shalt  }
0x43: {  	_ =	shalt  }
0x44: {  	_ =	shalt  }
0x45: {  	_ =	shalt  }
0x46: {  	_ =	shalt  }
0x47: {  	_ =	shalt  }
0x48: {  	_ =	shalt  }
0x49: {  	_ =	shalt  }
0x4a: {  	_ =	shalt  }
0x4b: {  	_ =	shalt  }
0x4c: {  	_ =	shalt  }
0x4d: {  	_ =	shalt  }
0x4e: {  	_ =	shalt  }
0x4f: {  	_ =	shalt  }
0x50: {  	_ =	shalt  }
0x51: {  	_ =	shalt  }
0x52: {  	_ =	shalt  }
0x53: {  	_ =	shalt  }
0x54: {  	_ =	shalt  }
0x55: {  	_ =	shalt  }
0x56: {  	_ =	shalt  }
0x57: {  	_ =	shalt  }
0x58: {  	_ =	shalt  }
0x59: {  	_ =	shalt  }
0x5a: {  	_ =	shalt  }
0x5b: {  	_ =	shalt  }
0x5c: {  	_ =	shalt  }
0x5d: {  	_ =	shalt  }
0x5e: {  	_ =	shalt  }
0x5f: {  	_ =	shalt  }
0x60: {  	_ =	shalt  }
0x61: {  	_ =	shalt  }
0x62: {  	_ =	shalt  }
0x63: {  	_ =	shalt  }
0x64: {  	_ =	shalt  }
0x65: {  	_ =	shalt  }
0x66: {  	_ =	shalt  }
0x67: {  	_ =	shalt  }
0x68: {  	_ =	shalt  }
0x69: {  	_ =	shalt  }
0x6a: {  	_ =	shalt  }
0x6b: {  	_ =	shalt  }
0x6c: {  	_ =	shalt  }
0x6d: {  	_ =	shalt  }
0x6e: {  	_ =	shalt  }
0x6f: {  	_ =	shalt  }
0x70: {  	_ =	shalt  }
0x71: {  	_ =	shalt  }
0x72: {  	_ =	shalt  }
0x73: {  	_ =	shalt  }
0x74: {  	_ =	shalt  }
0x75: {  	_ =	shalt  }
0x76: {  	_ =	shalt  }
0x77: {  	_ =	shalt  }
0x78: {  	_ =	shalt  }
0x79: {  	_ =	shalt  }
0x7a: {  	_ =	shalt  }
0x7b: {  	_ =	shalt  }
0x7c: {  	_ =	shalt  }
0x7d: {  	_ =	shalt  }
0x7e: {  	_ =	shalt  }
0x7f: {  	_ =	shalt  }
0x80: {  	_ =	shalt  }
0x81: {  	_ =	shalt  }
0x82: {  	_ =	shalt  }
0x83: {  	_ =	shalt  }
0x84: {  	_ =	shalt  }
0x85: {  	_ =	shalt  }
0x86: {  	_ =	shalt  }
0x87: {  	_ =	shalt  }
.Lfunc_end0:
.L_simem_size_0:
called_computation_lowered:
.L_overlay_start_0:
0x88: {  	s2 =	sld [smem:$0x3FD9]  }
0x89: {  	s3 =	sld [smem:$0x3FFE];
	_ =	sdelay $0x1  }
0x8a: {  	s1 =	srdreg.scid  }
0x8b: {  	s0 =	sand.u32 $0x1, s1  }
0x8c: {  	s17 =	sshll.u32 s0, $0xA;
	s2 =	sadd.s32 s3, s2  }
0x8d: {  	s2 =	sadd.s32 s2, s17  }
0x8e: {  	[smem:$0x3FC0] =	sst s2  }
0x8f: {  	_ = 	snop  }
0x90: {  	s2 =	sld [smem:$0x3FD0];
	(tm) =	ssettm $0x1  }
0x91: {  	s18 =	sld [smem:$0x3FFB];
	_ =	sdelay $0x3  }
0x92: {  	_ =	strace s18  }
0x93: {  	s3 =	sld [smem:$0x3FFC];
	_ =	sdelay $0x3  }
0x94: {  	_ =	strace s3  }
0x95: {  	s3 =	sld [smem:$0x3FFD];
	_ =	sdelay $0x3  }
0x96: {  	_ =	strace s3  }
0x97: {  	_ =	strace $0x8FFFFFFF  }
0x98: {  	s19 =	sld [smem:$0x3FDB];
	_ =	sdelay $0x1  }
0x99: {  	s4 =	simm.s32 $_scs_section_size  }
0x9a: {  	s5 =	simm.s32 $_size__tile_overlayer_lowered;
	s6 =	simm.s32 $_tile_overlayer_lowered  }
0x9b: {  	s22 =	simm.s32 $0x1BFF;
	s21 =	sshll.u32 s6, $0x1;
	s3 =	sadd.s32 s4, s19  }
0x9c: {  	s7 =	simm.s32 $0x0;
	s20 =	sshll.u32 s5, $0x1;
	s5 =	sadd.s32 s21, s3  }
0x9d: {  	[timem:s7], [sflag:s22] =	dma.local [hbm:s5], s20  }
0x9e: {  	_ =	swait.ge [sflag:s22], s20  }
0x9f: {  	s4 =	ssub.s32 $0x0, s20;
	[sflag:s22] =	ssyncset.done $0x0  }
0xa0: {  	[sflag:s22] =	ssyncadd.s32 s4;
	_ =	sdelay $0x1  }
0xa1: {  	s23 =	simm.s32 $0x1B8B  }
0xa2: {  	_ =	swait.ge [sflag:s23], $0x1  }
0xa3: {  	[sflag:s23] =	ssyncset.done $0x0  }
0xa4: {  	s25 =	simm.s32 $0x1B8E;
	s24 =	sld [smem:$0x3FFE];
	[sflag:s23] =	ssyncadd.s32 $0xFFFFFFFF  }
0xa5: {  	s26 =	simm.s32 $execute0_lowered;
	[smem:$0x3FD2] =	sst s25  }
0xa6: {  	s5 =	sshll.u32 s26, $0x1;
	_ =	strace $0x80000046;
	[dreg:$0x1] =	wrdreg $0xFFFFFFFF  }
0xa7: {  	s28 =	simm.s32 $_size_execute0_lowered;
	s3 =	sadd.s32 s3, s5;
	[dreg:$0x0] =	wrdreg $0x0  }
0xa8: {  	s5 =	sshll.u32 s28, $0x1;
	[dreg:$0x2] =	wrdreg s3  }
0xa9: {  	[dreg:$0x3] =	wrdreg s5  }
0xaa: {  	[dreg:$0x4] =	wrdreg $0xC0  }
0xab: {  	_ =	task [dreg:s7], $0x5FFFF  }
0xac: {  	[dreg:$0x1] =	wrdreg $0xFFFFFFFF  }
0xad: {  	[dreg:$0x0] =	wrdreg $0x60  }
0xae: {  	[dreg:$0x2] =	wrdreg s24  }
0xaf: {  	[dreg:$0x3] =	wrdreg s2  }
0xb0: {  	[dreg:$0x4] =	wrdreg $0xDE000  }
0xb1: {  	[dreg:$0x5] =	wrdreg $0x9  }
0xb2: {  	_ =	task.clear_ibuf [dreg:s7], $0x6FFFF;
	_ =	strace $0x90000046  }
0xb3: {  	s29 =	simm.s32 $0x9;
	_ =	strace $0x80000048  }
0xb4: {  	_ =	swait.ge [sflag:s29], $0x1  }
0xb5: {  	[sflag:s29] =	ssyncadd.s32 $0xFFFFFFFF  }
0xb6: {  	_ =	strace $0x90000048  }
0xb7: {  	_ =	sfence  }
0xb8: {  	s30 =	sld [smem:$0x0];
	_ =	sdelay $0x2  }
0xb9: {  	s31 =	sshll.u32 s1, $0xD;
	s1 =	sshrl.u32 s1, $0x2  }
0xba: {  	s3 =	sand.u32 $0x4000, s31;
	s1 =	sadd.s32 s1, s30  }
0xbb: {  	s0 =	sor.u32 s3, s0;
	s1 =	sshll.u32 s1, $0x11  }
0xbc: {  	s0 =	sor.u32 s1, s0  }
0xbd: {  	s0 =	sadd.s32 $0x8F2B, s0  }
0xbe: {  	[sflag:s0] =	ssyncadd.remote.s32 $0x1  }
0xbf: {  	_ =	sfence.sel $0xFFFF  }
0xc0: {  	[dreg:$0x0] =	wrdreg $0xFFFFFFFF;
	(pc) =	sbr.abs _section_cstart, $3  }
0xc1: {  	[dreg:$0x1] =	wrdreg $0xFFFFFFFF  }
0xc2: {  	_ =	task.clear_ibuf [dreg:s7], $0x2FFFF;
	_ =	strace $0x9FFFFFFF  }
0xc3: {  	(tm) =	ssettm $0x7FFFFFFF  }
tec
execute0_lowered:
.L_overlay_start_1:
0x0: {  	(tag) =	ssettag $0x1  }
0x1: {  	s7 =	rddreg [dreg:$0x0]  }
0x2: {  	s8 =	rddreg [dreg:$0x1]  }
0x3: {  	s2 =	rddreg [dreg:$0x2]  }
0x4: {  	s0 =	rddreg [dreg:$0x3]  }
0x5: {  	s1 =	stileid.u32;
	s3 =	simm.s32 $0x0;
	s4 =	srdreg.scid  }
0x6: {  	s16 =	simm.s32 $0x80;
	s17 =	simm.s32 $0x9E00;
	s18 =	simm.s32 $0xBE00  }
0x7: {  	s20 =	simm.s32 $0x2;
	s21 =	simm.s32 $0x3;
	s22 =	simm.s32 $0x4  }
0x8: {  	s23 =	simm.s32 $0x9D00;
	s26 =	simm.s32 $0x0;
	s9 =	smul.u32 $0x4F00, s1  }
0x9: {  	[smem:$0x7FF] =	sst s3;
	s19 =	sand.u32 $0x1, s4;
	s12 =	smul.u32 $0x500, s1  }
0xa: {  	s4 =	sadd.s32 $0x1E00, s7;
	s6 =	sadd.s32 $0x34200, s7;
	s15 =	smul.u32 $0xA000, s1  }
0xb: {  	s30 =	sshll.u32 s1, $0x6;
	_ =	strace $0x80000047;
	s10 =	smul.u32 $0x14000, s19  }
0xc: {  	s13 =	smul.u32 $0x4F000, s19;
	s28 =	ssub.s32 $0x2, s19;
	p0 =	sne.s32 s19, $0x0  }
0xd: {  	s19 =	simm.s32 $0x1;
	s5 =	sshrl.u32 s9, $0x3;
	s12 =	sadd.s32 s12, s7  }
0xe: {  	s14 =	sshrl.u32 s28, $0x1;
	s31 =	sadd.s32 s15, s2;
	s25 =	sshrl.u32 s15, $0x3  }
0xf: {  	s15 =	simm.s32 $0x17E00;
	s11 =	sadd.s32 s5, s7;
	s5 =	sadd.s32 $0x32E00, s7  }
0x10: {  	s10 =	sadd.s32 s10, s7;
	s9 =	sadd.s32 s9, s13;
	s29 =	ssub.s32 s28, s14  }
0x11: {  	s7 =	sor.u32 $0x1C05, s30;
	s13 =	simm.s32 $0x5;
	s14 =	simm.s32 $0x4F00  }
0x12: {  	s9 =	sshrl.u32 s9, $0x3;
	s24 =	sadd.s32 $0x39800, s10;
	s10 =	sadd.s32 $0x34800, s12  }
0x13: {  	s12 =	sshrl.u32 s31, $0x3;
	s8 =	sadd.s32 s8, s9;
	s9 =	sadd.s32 $0x29000, s11  }
0x14: {  	s11 =	smax.u32 s29, $0x1;
	s24 =	sadd.s32 s25, s24;
	s25 =	simm.s32 $0x9D80  }
.LBB2_1:
0x15: {  	[spmem:s12], [sflag:s7] =	dma.local [hbm:s5], $0x1400  }
0x16: {  	_ =	swait.ge [sflag:s13], $0x1400  }
0x17: {  	[sflag:s13] =	ssyncset.done $0x0  }
0x18: {  	[sflag:s13] =	ssyncadd.s32 $0xFFFFEC00  }
0x19: {  	[tilespmem:s3], [sflag:$0x5] =	stream.linear.gather [hbm4b:s8+s3], $0x4F00, $0x38;
	[tilespmem:$0x1A600] =	vst v63  }
0x1a: {  	_ =	swait.ge [sflag:s13], $0x4F00  }
0x1b: {  	[sflag:s13] =	ssyncset.done $0x0  }
0x1c: {  	[sflag:s13] =	ssyncadd.s32 $0xFFFFB100  }
0x1d: {  	[tilespmem:s14], [sflag:$0x5] =	stream.linear.gather [hbm4b:s9+s3], $0x4F00, $0x38;
	[tilespmem:$0x1A600] =	vst v63  }
0x1e: {  	_ =	swait.ge [sflag:s13], $0x4F00  }
0x1f: {  	[sflag:s13] =	ssyncset.done $0x0  }
0x20: {  	[sflag:s13] =	ssyncadd.s32 $0xFFFFB100  }
0x21: {  	[tilespmem:s15], [sflag:$0x5] =	stream.linear.gather [hbm4b:s6+s3], $0x2800, $0x38;
	[tilespmem:$0x1A600] =	vst v63  }
0x22: {  	_ =	swait.ge [sflag:s13], $0x2800  }
0x23: {  	[sflag:s13] =	ssyncset.done $0x0  }
0x24: {  	[sflag:s13] =	ssyncadd.s32 $0xFFFFD800  }
0x25: {  	[bflag:$0x0] =	sbarrier.arrive $0xFFFF  }
0x26: {  	[tilespmem:s17], [sflag:$0x1] =	stream.indirect.gather [hbm4b:s4+s16], $0x40, s3, s16, $0xb8;
	[tilespmem:$0x1A600] =	vst v63  }
0x27: {  	s29 =	simm.s32 $0x0  }
0x28: {  	[tilespmem:s18], [sflag:$0x2] =	stream.indirect.gather [hbm4b:s4+s16], $0x40, s16, s16, $0xb8;
	[tilespmem:$0x1A600] =	vst v63  }
.LBB2_2:
0x29: {  	_ =	swait.ge [sflag:s19], $0x2000  }
0x2a: {  	s30 =	sshra.s32 s29, $0x2;
	[sflag:s19] =	ssyncset.done $0x0  }
0x2b: {  	s28 =	sadd.s32 $0x4F00, s30;
	[sflag:s19] =	ssyncadd.s32 $0xFFFFE000  }
0x2c: {  	[spmem:s2] =	stream.indirect.scatter.add.f32 [tilespmem:s17], [sflag:$0x3], $0x40, s28, s16, $0xb8;
	[tilespmem:$0x1A600] =	vst v63  }
0x2d: {  	_ =	swait.ge [sflag:s20], $0x2000  }
0x2e: {  	[sflag:s20] =	ssyncset.done $0x0  }
0x2f: {  	s31 =	sshra.s32 @!p0 s29, $0x2;
	s28 =	sadd.s32 $0x4F80, s30;
	[sflag:s20] =	ssyncadd.s32 $0xFFFFE000  }
0x30: {  	[spmem:s2] =	stream.indirect.scatter.add.f32 [tilespmem:s18], [sflag:$0x4], $0x40, s28, s16, $0xb8;
	[tilespmem:$0x1A600] =	vst v63  }
0x31: {  	v1 =	vld @!p0 [tilespmem:s31+$0x4F00];
	_ =	sdelay $0x6  }
0x32: {  	v0 =	vimm.f32 @!p0 $1.000000000e+00;
	s28 =	simm.s32 @!p0 $0x17E00  }
0x33: {  	[tilespmem:v1+s28+$0x0] =	vst.idx.add.f32.msk @!p0 $0xffff, v0  }
0x34: {  	v1 =	vld @!p0 [tilespmem:s31+$0x4F10];
	_ =	sdelay $0x7  }
0x35: {  	[tilespmem:v1+s28+$0x0] =	vst.idx.add.f32.msk @!p0 $0xffff, v0  }
0x36: {  	v1 =	vld @!p0 [tilespmem:s31+$0x4F20];
	_ =	sdelay $0x7  }
0x37: {  	[tilespmem:v1+s28+$0x0] =	vst.idx.add.f32.msk @!p0 $0xffff, v0  }
0x38: {  	v1 =	vld @!p0 [tilespmem:s31+$0x4F30];
	_ =	sdelay $0x7  }
0x39: {  	[tilespmem:v1+s28+$0x0] =	vst.idx.add.f32.msk @!p0 $0xffff, v0  }
0x3a: {  	v1 =	vld @!p0 [tilespmem:s31+$0x4F40];
	_ =	sdelay $0x7  }
0x3b: {  	[tilespmem:v1+s28+$0x0] =	vst.idx.add.f32.msk @!p0 $0xffff, v0  }
0x3c: {  	v1 =	vld @!p0 [tilespmem:s31+$0x4F50];
	_ =	sdelay $0x7  }
0x3d: {  	[tilespmem:v1+s28+$0x0] =	vst.idx.add.f32.msk @!p0 $0xffff, v0  }
0x3e: {  	v1 =	vld @!p0 [tilespmem:s31+$0x4F60];
	_ =	sdelay $0x7  }
0x3f: {  	[tilespmem:v1+s28+$0x0] =	vst.idx.add.f32.msk @!p0 $0xffff, v0  }
0x40: {  	v1 =	vld @!p0 [tilespmem:s31+$0x4F70];
	_ =	sdelay $0x7  }
0x41: {  	[tilespmem:v1+s28+$0x0] =	vst.idx.add.f32.msk @!p0 $0xffff, v0  }
0x42: {  	v1 =	vld @!p0 [tilespmem:s30+$0x4F80];
	_ =	sdelay $0x7  }
0x43: {  	[tilespmem:v1+s28+$0x0] =	vst.idx.add.f32.msk @!p0 $0xffff, v0  }
0x44: {  	v1 =	vld @!p0 [tilespmem:s31+$0x4F90];
	_ =	sdelay $0x7  }
0x45: {  	[tilespmem:v1+s28+$0x0] =	vst.idx.add.f32.msk @!p0 $0xffff, v0  }
0x46: {  	v1 =	vld @!p0 [tilespmem:s31+$0x4FA0];
	_ =	sdelay $0x7  }
0x47: {  	[tilespmem:v1+s28+$0x0] =	vst.idx.add.f32.msk @!p0 $0xffff, v0  }
0x48: {  	v1 =	vld @!p0 [tilespmem:s31+$0x4FB0];
	_ =	sdelay $0x7  }
0x49: {  	[tilespmem:v1+s28+$0x0] =	vst.idx.add.f32.msk @!p0 $0xffff, v0  }
0x4a: {  	v1 =	vld @!p0 [tilespmem:s31+$0x4FC0];
	_ =	sdelay $0x7  }
0x4b: {  	[tilespmem:v1+s28+$0x0] =	vst.idx.add.f32.msk @!p0 $0xffff, v0  }
0x4c: {  	v1 =	vld @!p0 [tilespmem:s31+$0x4FD0];
	_ =	sdelay $0x7  }
0x4d: {  	[tilespmem:v1+s28+$0x0] =	vst.idx.add.f32.msk @!p0 $0xffff, v0  }
0x4e: {  	v1 =	vld @!p0 [tilespmem:s31+$0x4FE0];
	_ =	sdelay $0x7  }
0x4f: {  	[tilespmem:v1+s28+$0x0] =	vst.idx.add.f32.msk @!p0 $0xffff, v0  }
0x50: {  	v1 =	vld @!p0 [tilespmem:s31+$0x4FF0];
	_ =	sdelay $0x7  }
0x51: {  	[tilespmem:v1+s28+$0x0] =	vst.idx.add.f32.msk @!p0 $0xffff, v0  }
0x52: {  	_ =	swait.ge [sflag:s21], $0x2000  }
0x53: {  	s29 =	sadd.s32 $0x400, s29;
	[sflag:s21] =	ssyncset.done $0x0  }
0x54: {  	p1 =	sne.s32 s29, $0x13800;
	s31 =	sadd.s32 $0x100, s30;
	[sflag:s21] =	ssyncadd.s32 $0xFFFFE000  }
0x55: {  	[tilespmem:s17], [sflag:$0x1] =	stream.indirect.gather [hbm4b:s4+s16], $0x40, s31, s16, $0xb8;
	[tilespmem:$0x1A600] =	vst v63  }
.Ltmp0:
0x56: {  	_ = 	snop;
	(pc) =	sbr.rel @p1 .LBB2_2-.Ltmp0, $4  }
0x57: {  	_ =	swait.ge [sflag:s22], $0x2000  }
0x58: {  	[sflag:s22] =	ssyncset.done $0x0  }
0x59: {  	s30 =	sadd.s32 $0x180, s30;
	[sflag:s22] =	ssyncadd.s32 $0xFFFFE000  }
0x5a: {  	[tilespmem:s18], [sflag:$0x2] =	stream.indirect.gather [hbm4b:s4+s16], $0x40, s30, s16, $0xb8;
	[tilespmem:$0x1A600] =	vst v63  }
0x5b: {  	_ =	swait.ge [sflag:s19], $0x2000  }
0x5c: {  	[sflag:s19] =	ssyncset.done $0x0  }
0x5d: {  	[sflag:s19] =	ssyncadd.s32 $0xFFFFE000  }
0x5e: {  	[spmem:s2] =	stream.indirect.scatter.add.f32 [tilespmem:s17], [sflag:$0x3], $0x40, s23, s16, $0xb8;
	[tilespmem:$0x1A600] =	vst v63  }
0x5f: {  	_ =	swait.ge [sflag:s20], $0x2000  }
0x60: {  	[sflag:s20] =	ssyncset.done $0x0  }
0x61: {  	[sflag:s20] =	ssyncadd.s32 $0xFFFFE000  }
0x62: {  	[spmem:s2] =	stream.indirect.scatter.add.f32 [tilespmem:s18], [sflag:$0x4], $0x40, s25, s16, $0xb8;
	[tilespmem:$0x1A600] =	vst v63  }
0x63: {  	v1 =	vld @!p0 [tilespmem:$0x9D00];
	_ =	sdelay $0x7  }
0x64: {  	[tilespmem:v1+s28+$0x0] =	vst.idx.add.f32.msk @!p0 $0xffff, v0  }
0x65: {  	v1 =	vld @!p0 [tilespmem:$0x9D10];
	_ =	sdelay $0x7  }
0x66: {  	[tilespmem:v1+s28+$0x0] =	vst.idx.add.f32.msk @!p0 $0xffff, v0  }
0x67: {  	v1 =	vld @!p0 [tilespmem:$0x9D20];
	_ =	sdelay $0x7  }
0x68: {  	[tilespmem:v1+s28+$0x0] =	vst.idx.add.f32.msk @!p0 $0xffff, v0  }
0x69: {  	v1 =	vld @!p0 [tilespmem:$0x9D30];
	_ =	sdelay $0x7  }
0x6a: {  	[tilespmem:v1+s28+$0x0] =	vst.idx.add.f32.msk @!p0 $0xffff, v0  }
0x6b: {  	v1 =	vld @!p0 [tilespmem:$0x9D40];
	_ =	sdelay $0x7  }
0x6c: {  	[tilespmem:v1+s28+$0x0] =	vst.idx.add.f32.msk @!p0 $0xffff, v0  }
0x6d: {  	v1 =	vld @!p0 [tilespmem:$0x9D50];
	_ =	sdelay $0x7  }
0x6e: {  	[tilespmem:v1+s28+$0x0] =	vst.idx.add.f32.msk @!p0 $0xffff, v0  }
0x6f: {  	v1 =	vld @!p0 [tilespmem:$0x9D60];
	_ =	sdelay $0x7  }
0x70: {  	[tilespmem:v1+s28+$0x0] =	vst.idx.add.f32.msk @!p0 $0xffff, v0  }
0x71: {  	v1 =	vld @!p0 [tilespmem:$0x9D70];
	_ =	sdelay $0x7  }
0x72: {  	[tilespmem:v1+s28+$0x0] =	vst.idx.add.f32.msk @!p0 $0xffff, v0  }
0x73: {  	v1 =	vld @!p0 [tilespmem:$0x9D80];
	_ =	sdelay $0x7  }
0x74: {  	[tilespmem:v1+s28+$0x0] =	vst.idx.add.f32.msk @!p0 $0xffff, v0  }
0x75: {  	v1 =	vld @!p0 [tilespmem:$0x9D90];
	_ =	sdelay $0x7  }
0x76: {  	[tilespmem:v1+s28+$0x0] =	vst.idx.add.f32.msk @!p0 $0xffff, v0  }
0x77: {  	v1 =	vld @!p0 [tilespmem:$0x9DA0];
	_ =	sdelay $0x7  }
0x78: {  	[tilespmem:v1+s28+$0x0] =	vst.idx.add.f32.msk @!p0 $0xffff, v0  }
0x79: {  	v1 =	vld @!p0 [tilespmem:$0x9DB0];
	_ =	sdelay $0x7  }
0x7a: {  	[tilespmem:v1+s28+$0x0] =	vst.idx.add.f32.msk @!p0 $0xffff, v0  }
0x7b: {  	v1 =	vld @!p0 [tilespmem:$0x9DC0];
	_ =	sdelay $0x7  }
0x7c: {  	[tilespmem:v1+s28+$0x0] =	vst.idx.add.f32.msk @!p0 $0xffff, v0  }
0x7d: {  	v1 =	vld @!p0 [tilespmem:$0x9DD0];
	_ =	sdelay $0x7  }
0x7e: {  	[tilespmem:v1+s28+$0x0] =	vst.idx.add.f32.msk @!p0 $0xffff, v0  }
0x7f: {  	v1 =	vld @!p0 [tilespmem:$0x9DE0];
	_ =	sdelay $0x7  }
0x80: {  	[tilespmem:v1+s28+$0x0] =	vst.idx.add.f32.msk @!p0 $0xffff, v0  }
0x81: {  	v1 =	vld @!p0 [tilespmem:$0x9DF0];
	_ =	sdelay $0x7  }
0x82: {  	[tilespmem:v1+s28+$0x0] =	vst.idx.add.f32.msk @!p0 $0xffff, v0  }
0x83: {  	_ =	swait.ge [sflag:s21], $0x2000  }
0x84: {  	[sflag:s21] =	ssyncset.done $0x0  }
0x85: {  	[sflag:s21] =	ssyncadd.s32 $0xFFFFE000  }
0x86: {  	_ =	swait.ge [sflag:s22], $0x2000  }
0x87: {  	[sflag:s22] =	ssyncset.done $0x0  }
0x88: {  	[sflag:s22] =	ssyncadd.s32 $0xFFFFE000  }
0x89: {  	[bflag:$0x0] =	sbarrier.arrive $0xFFFF  }
0x8a: {  	[hbm:s24], [sflag:s7] =	dma.local [spmem:s12], $0x1400  }
0x8b: {  	_ =	swait.ge [sflag:s13], $0x1400  }
0x8c: {  	s26 =	sadd.s32 $0x1, s26;
	[sflag:s13] =	ssyncset.done $0x0  }
0x8d: {  	s29 =	simm.s32 @!p0 $0x0;
	p1 =	sne.s32 s26, s11;
	[sflag:s13] =	ssyncadd.s32 $0xFFFFEC00  }
0x8e: {  	[hbm4b:s10+s29] =	stream.linear.scatter @!p0 [tilespmem:s28], [sflag:$0x5], $0x2800, $0x38;
	[tilespmem:$0x1A600] =	vst v63  }
.Ltmp1:
0x8f: {  	_ = 	snop;
	(pc) =	sbr.rel @p1 .LBB2_1-.Ltmp1, $4  }
0x90: {  	s28 =	simm.s32 @!p0 $0x5  }
0x91: {  	_ =	swait.ge @!p0 [sflag:s28], $0x2800  }
0x92: {  	[sflag:s28] =	ssyncset.done @!p0 $0x0  }
0x93: {  	[sflag:s28] =	ssyncadd.s32 @!p0 $0xFFFFD800  }
0x94: {  	_ =	sfence.sel $0x180000  }
0x95: {  	[bflag:$0x0] =	sbarrier.arrive $0xFFFF  }
0x96: {  	p0 =	sne.s32 s1, $0x0;
	_ =	strace $0x90000047  }
0x97: {  	s0 =	sadd.s32 @!p0 $0x100000, s0;
	[bflag:$0x2] =	sbarrier.arrive $0xFFFF  }
0x98: {  	[sflag:s0] =	ssyncadd.tile.s32 @!p0 $0x1;
	_ =	shalt  }
.Lfunc_end2:
_tile_overlayer_lowered:
.L_overlay_start_2:
0x99: {  	(tag) =	ssettag $0x2  }
0x9a: {  	s0 =	rddreg [dreg:$0x0];
	s2 =	stileid.u32  }
0x9b: {  	s1 =	rddreg [dreg:$0x1];
	p0 =	sne.s32 s2, $0x0  }
0x9c: {  	s3 =	rddreg [dreg:$0x2];
	[bflag:$0x3] =	sbarrier.arrive $0xFFFF;
	s2 =	simm.s32 @!p0 $0x1C05  }
0x9d: {  	[timem:s3], [sflag:s2] =	dma.local @!p0 [hbm:s0], s1  }
0x9e: {  	s0 =	simm.s32 @!p0 $0x5  }
0x9f: {  	_ =	swait.ge @!p0 [sflag:s0], s1  }
0xa0: {  	s1 =	ssub.s32 @!p0 $0x0, s1;
	[sflag:s0] =	ssyncset.done @!p0 $0x0  }
0xa1: {  	[sflag:s0] =	ssyncadd.s32 @!p0 s1  }
0xa2: {  	[bflag:$0x3] =	sbarrier.arrive $0xFFFF  }
0xa3: {  	_ =	shalt  }

// kernel: kernel.9.cloned.1.call-start
scs
__scs_entry_jumppad:
0x0: {  	(pc) =	sbr.rel $0x88, $3  }
0x1: {  	(tag) =	ssettag $0x0;
	lr =	simm.s32 $0x1  }
0x2: {  	[smem:$0x3F99] =	sst lr;
	_ =	strace $0xD0000000  }
0x3: {  	_ = 	snop  }
0x4: {  	_ = 	snop  }
0x5: {  	_ = 	snop  }
0x6: {  	_ = 	snop  }
0x7: {  	_ = 	snop  }
__scs_overlays_trampoline_lowered:
0x8: {  	[smem:$0x3FA8] =	sst s0  }
0x9: {  	[smem:$0x3FA9] =	sst s1  }
0xa: {  	[smem:$0x3FAA] =	sst s2  }
0xb: {  	[smem:$0x3FAB] =	sst s3  }
0xc: {  	[smem:$0x3FAC] =	sst s4  }
0xd: {  	[smem:$0x3FAD] =	sst s5  }
0xe: {  	[smem:$0x3FAE] =	sst s6  }
0xf: {  	[smem:$0x3FAF] =	sst s7  }
0x10: {  	[smem:$0x3FB0] =	sst s8  }
0x11: {  	[smem:$0x3FB1] =	sst s9;
	s0 =	simm.s32 @!p0 $0x0  }
0x12: {  	s1 =	sld [smem:$0x3F97];
	s0 =	simm.s32 @p0 $0x1  }
0x13: {  	[smem:$0x3FB2] =	sst s0;
	s0 =	simm.s32 @!p1 $0x0  }
0x14: {  	s2 =	sld [smem:$0x3F96];
	s0 =	simm.s32 @p1 $0x1  }
0x15: {  	[smem:$0x3FB3] =	sst s0;
	s0 =	simm.s32 @!p2 $0x0  }
0x16: {  	s3 =	sld [smem:$0x3FDB];
	s0 =	simm.s32 @p2 $0x1  }
0x17: {  	s4 =	simm.s32 $0x1BF5;
	[smem:$0x3FB5] =	sst s0  }
0x18: {  	s0 =	sld [smem:$0x3F98];
	_ =	swait.ge [sflag:s4], $0x0  }
0x19: {  	s7 =	sld [smem:$0x3F99]  }
0x1a: {  	s8 =	sadd.s32 $0xFFFFE003, lr  }
0x1b: {  	s9 =	sadd.s32 $0xFFFFFEF7, lr;
	s5 =	simm.s32 $0xFFFFFFFF;
	p2 =	slt.u32 s8, $0xFFFFF086  }
0x1c: {  	p1 =	slt.u32 s9, $0xF7A;
	s5 =	simm.s32 @!p2 $0x0  }
0x1d: {  	s5 =	simm.s32 @p1 $0x1;
	p0 =	seq.s32 s7, s2  }
0x1e: {  	s7 =	smul.u32 @!p0 $0xF7A, s2;
	p2 =	seq.s32 @!p0 s5, $0x0  }
0x1f: {  	s9 =	smul.u32 $0xF7A, s1;
	s8 =	simm.s32 @!p0 $0x1BF5;
	p2 =	por !p2, p0  }
0x20: {  	[sflag:s8] =	ssyncset.s32 @!p0 $0xFFFFF086;
	s6 =	sadd.s32 @!p0 s3, s7;
	s7 =	simm.s32 @!p0 $0x108  }
0x21: {  	s3 =	sadd.s32 s3, s9;
	s6 =	sadd.s32 @!p0 $0x88, s6;
	s7 =	simm.s32 @p2 $0x1082  }
0x22: {  	[simem:s7], [sflag:s8] =	dma.local @!p0 [hbm:s6], $0xF7A  }
0x23: {  	s9 =	sor.u32 $0xD0000000, s2;
	s6 =	simm.s32 $0x108;
	_ =	swait.ge @!p0 [sflag:s8], $0x0  }
0x24: {  	s3 =	sadd.s32 $0x88, s3;
	s6 =	simm.s32 @!p1 $0x1082;
	[sflag:s4] =	ssyncset.s32 $0xFFFFF086  }
0x25: {  	[simem:s6], [sflag:s4] =	dma.local [hbm:s3], $0xF7A  }
0x26: {  	[smem:$0x3F99] =	sst s1;
	(tag) =	ssettag s2;
	_ =	strace s9  }
0x27: {  	s1 =	sld [smem:$0x3FA9]  }
0x28: {  	s2 =	sld [smem:$0x3FAA]  }
0x29: {  	s4 =	sld [smem:$0x3FAC]  }
0x2a: {  	p0 =	seq.s32 s5, $0x0;
	s5 =	sld [smem:$0x3FAD]  }
0x2b: {  	s6 =	sld [smem:$0x3FAE]  }
0x2c: {  	s7 =	sld [smem:$0x3FAF]  }
0x2d: {  	s3 =	simm.s32 $0x108;
	s8 =	sld [smem:$0x3FB0]  }
0x2e: {  	s3 =	simm.s32 @!p0 $0x1082;
	s9 =	sld [smem:$0x3FB1]  }
0x2f: {  	lr =	sadd.s32 s0, s3;
	s0 =	sld [smem:$0x3FA8]  }
0x30: {  	s3 =	sld [smem:$0x3FAB]  }
0x31: {  	[smem:$0x3FB4] =	sst s10  }
0x32: {  	s10 =	sld [smem:$0x3FB2];
	_ =	sdelay $0x3  }
0x33: {  	p0 =	seq.s32 s10, $0x1;
	s10 =	sld [smem:$0x3FB4];
	_ =	sdelay $0x3  }
0x34: {  	[smem:$0x3FB4] =	sst s10  }
0x35: {  	s10 =	sld [smem:$0x3FB3];
	_ =	sdelay $0x3  }
0x36: {  	p1 =	seq.s32 s10, $0x1;
	s10 =	sld [smem:$0x3FB4];
	_ =	sdelay $0x3  }
0x37: {  	[smem:$0x3FB4] =	sst s10  }
0x38: {  	s10 =	sld [smem:$0x3FB5]  }
0x39: {  	_ = 	snop;
	(pc) =	sbr.ind lr, $3  }
0x3a: {  	_ = 	snop  }
0x3b: {  	_ = 	snop  }
0x3c: {  	p2 =	seq.s32 s10, $0x1;
	s10 =	sld [smem:$0x3FB4]  }
0x3d: {  	_ =	shalt  }
0x3e: {  	_ =	shalt  }
0x3f: {  	_ =	shalt  }
0x40: {  	_ =	shalt  }
0x41: {  	_ =	shalt  }
0x42: {  	_ =	shalt  }
0x43: {  	_ =	shalt  }
0x44: {  	_ =	shalt  }
0x45: {  	_ =	shalt  }
0x46: {  	_ =	shalt  }
0x47: {  	_ =	shalt  }
0x48: {  	_ =	shalt  }
0x49: {  	_ =	shalt  }
0x4a: {  	_ =	shalt  }
0x4b: {  	_ =	shalt  }
0x4c: {  	_ =	shalt  }
0x4d: {  	_ =	shalt  }
0x4e: {  	_ =	shalt  }
0x4f: {  	_ =	shalt  }
0x50: {  	_ =	shalt  }
0x51: {  	_ =	shalt  }
0x52: {  	_ =	shalt  }
0x53: {  	_ =	shalt  }
0x54: {  	_ =	shalt  }
0x55: {  	_ =	shalt  }
0x56: {  	_ =	shalt  }
0x57: {  	_ =	shalt  }
0x58: {  	_ =	shalt  }
0x59: {  	_ =	shalt  }
0x5a: {  	_ =	shalt  }
0x5b: {  	_ =	shalt  }
0x5c: {  	_ =	shalt  }
0x5d: {  	_ =	shalt  }
0x5e: {  	_ =	shalt  }
0x5f: {  	_ =	shalt  }
0x60: {  	_ =	shalt  }
0x61: {  	_ =	shalt  }
0x62: {  	_ =	shalt  }
0x63: {  	_ =	shalt  }
0x64: {  	_ =	shalt  }
0x65: {  	_ =	shalt  }
0x66: {  	_ =	shalt  }
0x67: {  	_ =	shalt  }
0x68: {  	_ =	shalt  }
0x69: {  	_ =	shalt  }
0x6a: {  	_ =	shalt  }
0x6b: {  	_ =	shalt  }
0x6c: {  	_ =	shalt  }
0x6d: {  	_ =	shalt  }
0x6e: {  	_ =	shalt  }
0x6f: {  	_ =	shalt  }
0x70: {  	_ =	shalt  }
0x71: {  	_ =	shalt  }
0x72: {  	_ =	shalt  }
0x73: {  	_ =	shalt  }
0x74: {  	_ =	shalt  }
0x75: {  	_ =	shalt  }
0x76: {  	_ =	shalt  }
0x77: {  	_ =	shalt  }
0x78: {  	_ =	shalt  }
0x79: {  	_ =	shalt  }
0x7a: {  	_ =	shalt  }
0x7b: {  	_ =	shalt  }
0x7c: {  	_ =	shalt  }
0x7d: {  	_ =	shalt  }
0x7e: {  	_ =	shalt  }
0x7f: {  	_ =	shalt  }
0x80: {  	_ =	shalt  }
0x81: {  	_ =	shalt  }
0x82: {  	_ =	shalt  }
0x83: {  	_ =	shalt  }
0x84: {  	_ =	shalt  }
0x85: {  	_ =	shalt  }
0x86: {  	_ =	shalt  }
0x87: {  	_ =	shalt  }
.Lfunc_end0:
.L_simem_size_0:
called_computation.1_lowered:
.L_overlay_start_0:
0x88: {  	s2 =	sld [smem:$0x3FD9]  }
0x89: {  	s3 =	sld [smem:$0x3FFE];
	_ =	sdelay $0x1  }
0x8a: {  	s1 =	srdreg.scid  }
0x8b: {  	s0 =	sand.u32 $0x1, s1  }
0x8c: {  	s17 =	sshll.u32 s0, $0xA;
	s2 =	sadd.s32 s3, s2  }
0x8d: {  	s2 =	sadd.s32 s2, s17  }
0x8e: {  	[smem:$0x3FC0] =	sst s2  }
0x8f: {  	_ = 	snop  }
0x90: {  	s2 =	sld [smem:$0x3FD0];
	(tm) =	ssettm $0x1  }
0x91: {  	s18 =	sld [smem:$0x3FFB];
	_ =	sdelay $0x3  }
0x92: {  	_ =	strace s18  }
0x93: {  	s3 =	sld [smem:$0x3FFC];
	_ =	sdelay $0x3  }
0x94: {  	_ =	strace s3  }
0x95: {  	s3 =	sld [smem:$0x3FFD];
	_ =	sdelay $0x3  }
0x96: {  	_ =	strace s3  }
0x97: {  	_ =	strace $0x8FFFFFFF  }
0x98: {  	s19 =	sld [smem:$0x3FDB];
	_ =	sdelay $0x1  }
0x99: {  	s4 =	simm.s32 $_scs_section_size  }
0x9a: {  	s5 =	simm.s32 $_size__tile_overlayer_lowered;
	s6 =	simm.s32 $_tile_overlayer_lowered  }
0x9b: {  	s22 =	simm.s32 $0x1BFF;
	s21 =	sshll.u32 s6, $0x1;
	s3 =	sadd.s32 s4, s19  }
0x9c: {  	s7 =	simm.s32 $0x0;
	s20 =	sshll.u32 s5, $0x1;
	s5 =	sadd.s32 s21, s3  }
0x9d: {  	[timem:s7], [sflag:s22] =	dma.local [hbm:s5], s20  }
0x9e: {  	_ =	swait.ge [sflag:s22], s20  }
0x9f: {  	s4 =	ssub.s32 $0x0, s20;
	[sflag:s22] =	ssyncset.done $0x0  }
0xa0: {  	[sflag:s22] =	ssyncadd.s32 s4;
	_ =	sdelay $0x1  }
0xa1: {  	s23 =	simm.s32 $0x1B8B  }
0xa2: {  	_ =	swait.ge [sflag:s23], $0x1  }
0xa3: {  	[sflag:s23] =	ssyncset.done $0x0  }
0xa4: {  	s25 =	simm.s32 $0x1B8E;
	s24 =	sld [smem:$0x3FFE];
	[sflag:s23] =	ssyncadd.s32 $0xFFFFFFFF  }
0xa5: {  	s26 =	simm.s32 $execute0_lowered;
	[smem:$0x3FD2] =	sst s25  }
0xa6: {  	s5 =	sshll.u32 s26, $0x1;
	_ =	strace $0x80000049;
	[dreg:$0x1] =	wrdreg $0xFFFFFFFF  }
0xa7: {  	s28 =	simm.s32 $_size_execute0_lowered;
	s3 =	sadd.s32 s3, s5;
	[dreg:$0x0] =	wrdreg $0x0  }
0xa8: {  	s5 =	sshll.u32 s28, $0x1;
	[dreg:$0x2] =	wrdreg s3  }
0xa9: {  	[dreg:$0x3] =	wrdreg s5  }
0xaa: {  	[dreg:$0x4] =	wrdreg $0xC0  }
0xab: {  	_ =	task [dreg:s7], $0x5FFFF  }
0xac: {  	[dreg:$0x1] =	wrdreg $0xFFFFFFFF  }
0xad: {  	[dreg:$0x0] =	wrdreg $0x60  }
0xae: {  	[dreg:$0x2] =	wrdreg s24  }
0xaf: {  	[dreg:$0x3] =	wrdreg s2  }
0xb0: {  	[dreg:$0x4] =	wrdreg $0xBE000  }
0xb1: {  	[dreg:$0x5] =	wrdreg $0x9  }
0xb2: {  	_ =	task.clear_ibuf [dreg:s7], $0x6FFFF;
	_ =	strace $0x90000049  }
0xb3: {  	s29 =	simm.s32 $0x9;
	_ =	strace $0x8000004B  }
0xb4: {  	_ =	swait.ge [sflag:s29], $0x1  }
0xb5: {  	[sflag:s29] =	ssyncadd.s32 $0xFFFFFFFF  }
0xb6: {  	_ =	strace $0x9000004B  }
0xb7: {  	_ =	sfence  }
0xb8: {  	s30 =	sld [smem:$0x0];
	_ =	sdelay $0x2  }
0xb9: {  	s31 =	sshll.u32 s1, $0xD;
	s1 =	sshrl.u32 s1, $0x2  }
0xba: {  	s3 =	sand.u32 $0x4000, s31;
	s1 =	sadd.s32 s1, s30  }
0xbb: {  	s0 =	sor.u32 s3, s0;
	s1 =	sshll.u32 s1, $0x11  }
0xbc: {  	s0 =	sor.u32 s1, s0  }
0xbd: {  	s0 =	sadd.s32 $0x8F2B, s0  }
0xbe: {  	[sflag:s0] =	ssyncadd.remote.s32 $0x1  }
0xbf: {  	_ =	sfence.sel $0xFFFF  }
0xc0: {  	[dreg:$0x0] =	wrdreg $0xFFFFFFFF;
	(pc) =	sbr.abs _section_cstart, $3  }
0xc1: {  	[dreg:$0x1] =	wrdreg $0xFFFFFFFF  }
0xc2: {  	_ =	task.clear_ibuf [dreg:s7], $0x2FFFF;
	_ =	strace $0x9FFFFFFF  }
0xc3: {  	(tm) =	ssettm $0x7FFFFFFF  }
tec
execute0_lowered:
.L_overlay_start_1:
0x0: {  	(tag) =	ssettag $0x1  }
0x1: {  	s6 =	rddreg [dreg:$0x0]  }
0x2: {  	s7 =	rddreg [dreg:$0x1]  }
0x3: {  	s2 =	rddreg [dreg:$0x2]  }
0x4: {  	s0 =	rddreg [dreg:$0x3]  }
0x5: {  	s1 =	stileid.u32;
	s3 =	simm.s32 $0x0;
	s4 =	srdreg.scid  }
0x6: {  	s14 =	simm.s32 $0x9E00;
	s15 =	simm.s32 $0xAE00;
	s16 =	simm.s32 $0x1  }
0x7: {  	s17 =	simm.s32 $0x2;
	s18 =	simm.s32 $0x3;
	s19 =	simm.s32 $0x4  }
0x8: {  	s20 =	simm.s32 $0x9D00;
	s21 =	simm.s32 $0x9D80;
	s8 =	smul.u32 $0x4F00, s1  }
0x9: {  	[smem:$0x7FF] =	sst s3;
	s9 =	sand.u32 $0x1, s4;
	s13 =	smul.u32 $0x5000, s1  }
0xa: {  	s4 =	sadd.s32 $0x1E00, s6;
	s30 =	sshll.u32 s1, $0x6;
	s10 =	smul.u32 $0xA000, s9  }
0xb: {  	_ =	strace $0x8000004A;
	s12 =	smul.u32 $0x4F000, s9;
	s29 =	ssub.s32 $0x2, s9  }
0xc: {  	s5 =	sshrl.u32 s8, $0x3;
	s9 =	sshrl.u32 s29, $0x1;
	s31 =	sadd.s32 s13, s2  }
0xd: {  	s23 =	sshrl.u32 s13, $0x3;
	s13 =	simm.s32 $0x80;
	s11 =	sadd.s32 s5, s6  }
0xe: {  	s5 =	sadd.s32 $0x15800, s6;
	s10 =	sadd.s32 s10, s6;
	s8 =	sadd.s32 s8, s12  }
0xf: {  	s9 =	ssub.s32 s29, s9;
	s6 =	sor.u32 $0x1C05, s30;
	s12 =	simm.s32 $0x4F00  }
0x10: {  	s8 =	sshrl.u32 s8, $0x3;
	s22 =	sadd.s32 $0x32E00, s10;
	s9 =	smax.u32 s9, $0x1  }
0x11: {  	s10 =	sshrl.u32 s31, $0x3;
	s7 =	sadd.s32 s7, s8;
	s8 =	sadd.s32 $0x29000, s11  }
0x12: {  	s11 =	simm.s32 $0x5;
	s22 =	sadd.s32 s23, s22;
	s23 =	simm.s32 $0x0  }
.LBB2_1:
0x13: {  	[spmem:s10], [sflag:s6] =	dma.local [hbm:s5], $0xA00  }
0x14: {  	_ =	swait.ge [sflag:s11], $0xA00  }
0x15: {  	[sflag:s11] =	ssyncset.done $0x0  }
0x16: {  	[sflag:s11] =	ssyncadd.s32 $0xFFFFF600  }
0x17: {  	[tilespmem:s3], [sflag:$0x5] =	stream.linear.gather [hbm4b:s7+s3], $0x4F00, $0x38;
	[tilespmem:$0x10E00] =	vst v63  }
0x18: {  	_ =	swait.ge [sflag:s11], $0x4F00  }
0x19: {  	[sflag:s11] =	ssyncset.done $0x0  }
0x1a: {  	[sflag:s11] =	ssyncadd.s32 $0xFFFFB100  }
0x1b: {  	[tilespmem:s12], [sflag:$0x5] =	stream.linear.gather [hbm4b:s8+s3], $0x4F00, $0x38;
	[tilespmem:$0x10E00] =	vst v63  }
0x1c: {  	_ =	swait.ge [sflag:s11], $0x4F00  }
0x1d: {  	[sflag:s11] =	ssyncset.done $0x0  }
0x1e: {  	[sflag:s11] =	ssyncadd.s32 $0xFFFFB100  }
0x1f: {  	[bflag:$0x0] =	sbarrier.arrive $0xFFFF  }
0x20: {  	[tilespmem:s14], [sflag:$0x1] =	stream.indirect.gather [hbm4b:s4+s13], $0x20, s3, s13, $0xb8;
	[tilespmem:$0x10E00] =	vst v63  }
0x21: {  	_ = 	snop  }
0x22: {  	[tilespmem:s15], [sflag:$0x2] =	stream.indirect.gather [hbm4b:s4+s13], $0x20, s13, s13, $0xb8;
	[tilespmem:$0x10E00] =	vst v63  }
0x23: {  	_ =	swait.ge [sflag:s16], $0x1000  }
0x24: {  	[sflag:s16] =	ssyncset.done $0x0  }
0x25: {  	s24 =	simm.s32 $0x4F00;
	[sflag:s16] =	ssyncadd.s32 $0xFFFFF000  }
0x26: {  	[spmem:s2] =	stream.indirect.scatter.add.f32 [tilespmem:s14], [sflag:$0x3], $0x20, s24, s13, $0xb8;
	[tilespmem:$0x10E00] =	vst v63  }
0x27: {  	_ =	swait.ge [sflag:s17], $0x1000  }
0x28: {  	[sflag:s17] =	ssyncset.done $0x0  }
0x29: {  	s30 =	simm.s32 $0x4F80;
	[sflag:s17] =	ssyncadd.s32 $0xFFFFF000  }
0x2a: {  	[spmem:s2] =	stream.indirect.scatter.add.f32 [tilespmem:s15], [sflag:$0x4], $0x20, s30, s13, $0xb8;
	[tilespmem:$0x10E00] =	vst v63  }
0x2b: {  	_ =	swait.ge [sflag:s18], $0x1000  }
0x2c: {  	[sflag:s18] =	ssyncset.done $0x0  }
0x2d: {  	s31 =	simm.s32 $0x100;
	[sflag:s18] =	ssyncadd.s32 $0xFFFFF000  }
0x2e: {  	[tilespmem:s14], [sflag:$0x1] =	stream.indirect.gather [hbm4b:s4+s13], $0x20, s31, s13, $0xb8;
	[tilespmem:$0x10E00] =	vst v63  }
0x2f: {  	_ =	swait.ge [sflag:s19], $0x1000  }
0x30: {  	[sflag:s19] =	ssyncset.done $0x0  }
0x31: {  	s25 =	simm.s32 $0x180;
	s24 =	simm.s32 $0x400;
	[sflag:s19] =	ssyncadd.s32 $0xFFFFF000  }
.LBB2_2:
0x32: {  	[tilespmem:s15], [sflag:$0x2] =	stream.indirect.gather [hbm4b:s4+s13], $0x20, s25, s13, $0xb8;
	[tilespmem:$0x10E00] =	vst v63  }
0x33: {  	s25 =	smov.u32 s24  }
0x34: {  	p0 =	sne.s32 s24, $0x13400;
	s24 =	sadd.s32 $0x400, s24;
	_ =	swait.ge [sflag:s16], $0x1000  }
0x35: {  	s25 =	sshra.s32 s25, $0x2;
	[sflag:s16] =	ssyncset.done $0x0  }
0x36: {  	s26 =	sadd.s32 $0x4F00, s25;
	[sflag:s16] =	ssyncadd.s32 $0xFFFFF000  }
0x37: {  	[spmem:s2] =	stream.indirect.scatter.add.f32 [tilespmem:s14], [sflag:$0x3], $0x20, s26, s13, $0xb8;
	[tilespmem:$0x10E00] =	vst v63  }
0x38: {  	_ =	swait.ge [sflag:s17], $0x1000  }
0x39: {  	[sflag:s17] =	ssyncset.done $0x0  }
0x3a: {  	s26 =	sadd.s32 $0x4F80, s25;
	[sflag:s17] =	ssyncadd.s32 $0xFFFFF000  }
0x3b: {  	[spmem:s2] =	stream.indirect.scatter.add.f32 [tilespmem:s15], [sflag:$0x4], $0x20, s26, s13, $0xb8;
	[tilespmem:$0x10E00] =	vst v63  }
0x3c: {  	_ =	swait.ge [sflag:s18], $0x1000  }
0x3d: {  	[sflag:s18] =	ssyncset.done $0x0  }
.Ltmp0:
0x3e: {  	s26 =	sadd.s32 $0x100, s25;
	[sflag:s18] =	ssyncadd.s32 $0xFFFFF000;
	(pc) =	sbr.rel @p0 .LBB2_2-.Ltmp0, $4  }
0x3f: {  	[tilespmem:s14], [sflag:$0x1] =	stream.indirect.gather [hbm4b:s4+s13], $0x20, s26, s13, $0xb8;
	[tilespmem:$0x10E00] =	vst v63  }
0x40: {  	_ =	swait.ge [sflag:s19], $0x1000  }
0x41: {  	[sflag:s19] =	ssyncset.done $0x0  }
0x42: {  	s25 =	sadd.s32 $0x180, s25;
	[sflag:s19] =	ssyncadd.s32 $0xFFFFF000  }
0x43: {  	[tilespmem:s15], [sflag:$0x2] =	stream.indirect.gather [hbm4b:s4+s13], $0x20, s25, s13, $0xb8;
	[tilespmem:$0x10E00] =	vst v63  }
0x44: {  	_ =	swait.ge [sflag:s16], $0x1000  }
0x45: {  	[sflag:s16] =	ssyncset.done $0x0  }
0x46: {  	[sflag:s16] =	ssyncadd.s32 $0xFFFFF000  }
0x47: {  	[spmem:s2] =	stream.indirect.scatter.add.f32 [tilespmem:s14], [sflag:$0x3], $0x20, s20, s13, $0xb8;
	[tilespmem:$0x10E00] =	vst v63  }
0x48: {  	_ =	swait.ge [sflag:s17], $0x1000  }
0x49: {  	[sflag:s17] =	ssyncset.done $0x0  }
0x4a: {  	[sflag:s17] =	ssyncadd.s32 $0xFFFFF000  }
0x4b: {  	[spmem:s2] =	stream.indirect.scatter.add.f32 [tilespmem:s15], [sflag:$0x4], $0x20, s21, s13, $0xb8;
	[tilespmem:$0x10E00] =	vst v63  }
0x4c: {  	_ =	swait.ge [sflag:s18], $0x1000  }
0x4d: {  	[sflag:s18] =	ssyncset.done $0x0  }
0x4e: {  	[sflag:s18] =	ssyncadd.s32 $0xFFFFF000  }
0x4f: {  	_ =	swait.ge [sflag:s19], $0x1000  }
0x50: {  	s23 =	sadd.s32 $0x1, s23;
	[sflag:s19] =	ssyncset.done $0x0  }
0x51: {  	p0 =	sne.s32 s23, s9;
	[sflag:s19] =	ssyncadd.s32 $0xFFFFF000  }
.Ltmp1:
0x52: {  	[bflag:$0x0] =	sbarrier.arrive $0xFFFF;
	(pc) =	sbr.rel @p0 .LBB2_1-.Ltmp1, $4  }
0x53: {  	[hbm:s22], [sflag:s6] =	dma.local [spmem:s10], $0xA00  }
0x54: {  	_ =	swait.ge [sflag:s11], $0xA00  }
0x55: {  	[sflag:s11] =	ssyncset.done $0x0  }
0x56: {  	[sflag:s11] =	ssyncadd.s32 $0xFFFFF600  }
0x57: {  	_ =	sfence.sel $0x180000  }
0x58: {  	[bflag:$0x0] =	sbarrier.arrive $0xFFFF  }
0x59: {  	p0 =	sne.s32 s1, $0x0;
	_ =	strace $0x9000004A  }
0x5a: {  	s0 =	sadd.s32 @!p0 $0x100000, s0;
	[bflag:$0x2] =	sbarrier.arrive $0xFFFF  }
0x5b: {  	[sflag:s0] =	ssyncadd.tile.s32 @!p0 $0x1;
	_ =	shalt  }
.Lfunc_end2:
_tile_overlayer_lowered:
.L_overlay_start_2:
0x5c: {  	(tag) =	ssettag $0x2  }
0x5d: {  	s0 =	rddreg [dreg:$0x0];
	s2 =	stileid.u32  }
0x5e: {  	s1 =	rddreg [dreg:$0x1];
	p0 =	sne.s32 s2, $0x0  }
0x5f: {  	s3 =	rddreg [dreg:$0x2];
	[bflag:$0x3] =	sbarrier.arrive $0xFFFF;
	s2 =	simm.s32 @!p0 $0x1C05  }
0x60: {  	[timem:s3], [sflag:s2] =	dma.local @!p0 [hbm:s0], s1  }
0x61: {  	s0 =	simm.s32 @!p0 $0x5  }
0x62: {  	_ =	swait.ge @!p0 [sflag:s0], s1  }
0x63: {  	s1 =	ssub.s32 @!p0 $0x0, s1;
	[sflag:s0] =	ssyncset.done @!p0 $0x0  }
0x64: {  	[sflag:s0] =	ssyncadd.s32 @!p0 s1  }
0x65: {  	[bflag:$0x3] =	sbarrier.arrive $0xFFFF  }
0x66: {  	_ =	shalt  }

</sc_bundles>
